<compile_context>
chip_gen: v7x
topology: tpu7x:2x2x1
jax: 0.10.2.dev20260603
libtpu: 0.0.44.dev20260713+nightly
codegen_flags: <defaults>
</compile_context>

<pallas_src>
import functools

import jax
import jax.numpy as jnp
from jax import lax
from jax.experimental import pallas as pl
from jax.experimental.pallas import tpu as pltpu
from jax.experimental.pallas import tpu_sc as plsc

BATCH = 4
SEQ = 8192
DIM = 1024
LANES = 16
NUM_WORKERS = 32
ROWS_PER_WORKER = (BATCH * SEQ) // NUM_WORKERS
CHUNKS_PER_ROW = SEQ // ROWS_PER_WORKER
R = 16
NBUF = 4
NCHUNK = ROWS_PER_WORKER // R
VECS = ROWS_PER_WORKER // LANES


def _sc_body(mask_hbm, pkv_hbm, table_hbm, out_hbm,
             mask_v, idx_v, pkv_v,
             buf0, buf1, buf2, buf3, s0, s1, s2, s3):
    bufs = (buf0, buf1, buf2, buf3)
    sems = (s0, s1, s2, s3)

    wid = lax.axis_index("s") * 2 + lax.axis_index("c")
    b = wid // CHUNKS_PER_ROW
    c = wid % CHUNKS_PER_ROW
    row0 = wid * ROWS_PER_WORKER

    pltpu.sync_copy(mask_hbm.at[pl.ds(b * SEQ, SEQ)], mask_v)
    pltpu.sync_copy(pkv_hbm, pkv_v)
    pkv_vec = pkv_v[...]

    def _pre(i, acc):
        return acc + mask_v[pl.ds(i * LANES, LANES)]
    acc = lax.fori_loop(0, c * (1024 // LANES), _pre,
                        jnp.zeros((LANES,), jnp.int32))
    offset = jnp.sum(acc)

    base = c * 1024

    def _cum(j, carry):
        mvec = mask_v[pl.ds(base + j * LANES, LANES)]
        cum = plsc.cumsum(mvec)
        idx_v[j, :] = (cum + carry + pkv_vec) * mvec + 1
        return carry + jnp.sum(mvec)

    lax.fori_loop(0, VECS, _cum, offset)

    for k in range(NBUF):
        pltpu.async_copy(table_hbm.at[idx_v.at[k]], bufs[k], sems[k])

    def _step(t, carry):
        for k in range(NBUF):
            j = t * NBUF + k
            pltpu.make_async_copy(table_hbm.at[idx_v.at[j]], bufs[k],
                                  sems[k]).wait()
            pltpu.sync_copy(bufs[k], out_hbm.at[pl.ds(row0 + j * R, R)])

            @pl.when(j + NBUF < NCHUNK)
            def _():
                pltpu.async_copy(table_hbm.at[idx_v.at[j + NBUF]],
                                 bufs[k], sems[k])
        return carry

    lax.fori_loop(0, NCHUNK // NBUF, _step, 0)


@functools.partial(jax.jit, static_argnames=())
def _sc_embed(mask_flat, pkv_arr, weights):
    mesh = plsc.VectorSubcoreMesh(core_axis_name="c", subcore_axis_name="s")
    f = functools.partial(
        pl.kernel,
        mesh=mesh,
        compiler_params=pltpu.CompilerParams(needs_layout_passes=False),
        out_type=jax.ShapeDtypeStruct((BATCH * SEQ, DIM), jnp.float32),
        scratch_types=[
            pltpu.VMEM((SEQ,), jnp.int32),
            pltpu.VMEM((VECS, LANES), jnp.int32),
            pltpu.VMEM((LANES,), jnp.int32),
            pltpu.VMEM((R, DIM), jnp.float32),
            pltpu.VMEM((R, DIM), jnp.float32),
            pltpu.VMEM((R, DIM), jnp.float32),
            pltpu.VMEM((R, DIM), jnp.float32),
            pltpu.SemaphoreType.DMA,
            pltpu.SemaphoreType.DMA,
            pltpu.SemaphoreType.DMA,
            pltpu.SemaphoreType.DMA,
        ],
    )(_sc_body)
    return f(mask_flat, pkv_arr, weights)


def kernel(input_ids, attention_mask, past_key_values_length, weights):
    del input_ids
    mask_flat = attention_mask.reshape(-1).astype(jnp.int32)
    pkv_arr = jnp.full((LANES,), past_key_values_length, jnp.int32)
    out = _sc_embed(mask_flat, pkv_arr, weights)
    return out.reshape(BATCH, SEQ, weights.shape[-1])

# --- scband reference (transcript-rebuilt; emitter-appended) ---
"""Pipeline reference for scband-m2-mposition-embeddings-from-attention-mask-56564719288798 (READ-ONLY COPY).

The authoritative reference and input builder live on the scoring server;
editing this copy changes nothing except your own understanding.
"""

import jax, jax.numpy as jnp
import numpy as np

NUM_POSITIONS = 8192
EMBED_DIM = 1024
PADDING_IDX = 1
OFFSET = 2
FILL_TOKEN = 12345
BATCH = 4
SEQ_LEN = 8192


def make_sinusoidal_weights(num_embeddings, embedding_dim, padding_idx):
    # Faithful port of M2M100SinusoidalPositionalEmbedding.get_embedding
    half_dim = embedding_dim // 2
    emb = np.log(10000.0) / (half_dim - 1)
    emb = np.exp(np.arange(half_dim, dtype=np.float32) * -emb)
    emb = np.arange(num_embeddings, dtype=np.float32)[:, None] * emb[None, :]
    emb = np.concatenate([np.sin(emb), np.cos(emb)], axis=1).reshape(num_embeddings, -1)
    if embedding_dim % 2 == 1:
        emb = np.concatenate([emb, np.zeros((num_embeddings, 1), dtype=np.float32)], axis=1)
    if padding_idx is not None:
        emb[padding_idx, :] = 0.0
    return jnp.asarray(emb, dtype=jnp.float32)


def setup_inputs(seed: int = 0) -> dict:
    key = jax.random.key(seed)
    k1, k2 = jax.random.split(key)
    input_ids = jax.random.randint(k1, (BATCH, SEQ_LEN), 0, 1000, dtype=jnp.int32)
    attention_mask = jax.random.randint(k2, (BATCH, SEQ_LEN), 0, 2, dtype=jnp.int32)
    weights = make_sinusoidal_weights(NUM_POSITIONS + OFFSET, EMBED_DIM, PADDING_IDX)
    return {
        "input_ids": input_ids,
        "attention_mask": attention_mask,
        "past_key_values_length": 0,
        "weights": weights,
    }


def reference(input_ids, attention_mask, past_key_values_length, weights):
    bsz, seq_len = input_ids.shape
    # M2MPositionEmbeddingsFromAttentionMask.forward
    cut_attn_mask = attention_mask[:, :seq_len]
    token_ids = cut_attn_mask * FILL_TOKEN + (1 - cut_attn_mask) * PADDING_IDX
    # M2M100SinusoidalPositionalEmbedding.create_position_ids_from_input_ids
    mask = (token_ids != PADDING_IDX).astype(jnp.int32)
    incremental_indices = (jnp.cumsum(mask, axis=1) + past_key_values_length) * mask
    position_ids = incremental_indices.astype(jnp.int32) + PADDING_IDX
    # index_select into sinusoidal table
    out = jnp.take(weights, position_ids.reshape(-1), axis=0).reshape(
        bsz, seq_len, weights.shape[-1]
    )
    return out

if __name__ == "__main__":
    import jax
    _d = setup_inputs()
    print(jax.jit(kernel)(*tuple(_d.values())))

</pallas_src>

<mosaic_0001>
#map = affine_map<(d0, d1) -> (0)>
#map1 = affine_map<(d0, d1) -> (0, 0)>
module attributes {stable_mosaic.version = 14 : i64} {
  func.func @_sc_body(%arg0: i32, %arg1: i32, %arg2: memref<32768xi32, #tpu.memory_space<hbm>>, %arg3: memref<16xi32, #tpu.memory_space<hbm>>, %arg4: memref<8194x1024xf32, #tpu.memory_space<hbm>>, %arg5: memref<32768x1024xf32, #tpu.memory_space<hbm>>, %arg6: memref<8192xi32, #tpu.memory_space<vmem>>, %arg7: memref<64x16xi32, #tpu.memory_space<vmem>>, %arg8: memref<16xi32, #tpu.memory_space<vmem>>, %arg9: memref<16x1024xf32, #tpu.memory_space<vmem>>, %arg10: memref<16x1024xf32, #tpu.memory_space<vmem>>, %arg11: memref<16x1024xf32, #tpu.memory_space<vmem>>, %arg12: memref<16x1024xf32, #tpu.memory_space<vmem>>, %arg13: memref<!tpu.dma_semaphore, #tpu.memory_space<semaphore_mem>>, %arg14: memref<!tpu.dma_semaphore, #tpu.memory_space<semaphore_mem>>, %arg15: memref<!tpu.dma_semaphore, #tpu.memory_space<semaphore_mem>>, %arg16: memref<!tpu.dma_semaphore, #tpu.memory_space<semaphore_mem>>) attributes {dimension_semantics = [#tpu.dimension_semantics<core_parallel>, #tpu.dimension_semantics<subcore_parallel>], iteration_bounds = array<i64: 2, 16>, scalar_prefetch = 0 : i64, scratch_operands = 11 : i64, tpu.core_type = #tpu.core_type<sc_vector_subcore>, window_params = [{transform_indices = #map}, {transform_indices = #map}, {transform_indices = #map1}, {transform_indices = #map1}]} {
    %mul3A = arith.constant 2 : i32
    %mul3A_0 = arith.muli %arg1, %mul3A : i32
    %add3A = arith.addi %mul3A_0, %arg0 : i32
    %jit3A = arith.constant 8 : i32
    %div3A = arith.divsi %add3A, %jit3A : i32
    %sign3A = arith.constant 0 : i32
    %sign3A_1 = arith.cmpi sgt, %add3A, %sign3A : i32
    %sign3A_2 = arith.extui %sign3A_1 : i1 to i32
    %sign3A_3 = arith.constant 0 : i32
    %sign3A_4 = arith.cmpi slt, %add3A, %sign3A_3 : i32
    %sign3A_5 = arith.extui %sign3A_4 : i1 to i32
    %sign3A_6 = arith.subi %sign3A_2, %sign3A_5 : i32
    %sign3A_7 = arith.constant 0 : i32
    %sign3A_8 = arith.cmpi sgt, %jit3A, %sign3A_7 : i32
    %sign3A_9 = arith.extui %sign3A_8 : i1 to i32
    %sign3A_10 = arith.constant 0 : i32
    %sign3A_11 = arith.cmpi slt, %jit3A, %sign3A_10 : i32
    %sign3A_12 = arith.extui %sign3A_11 : i1 to i32
    %sign3A_13 = arith.subi %sign3A_9, %sign3A_12 : i32
    %ne3A = arith.cmpi ne, %sign3A_6, %sign3A_13 : i32
    %rem3A = arith.remsi %add3A, %jit3A : i32
    %ne3A_14 = arith.constant 0 : i32
    %ne3A_15 = arith.cmpi ne, %rem3A, %ne3A_14 : i32
    %and3A = arith.andi %ne3A, %ne3A_15 : i1
    %sub3A = arith.constant 1 : i32
    %sub3A_16 = arith.subi %div3A, %sub3A : i32
    %select_n3A = arith.select %and3A, %sub3A_16, %div3A : i32
    %jit3A_17 = arith.constant 8 : i32
    %eq3A = arith.constant 0 : i32
    %eq3A_18 = arith.cmpi eq, %jit3A_17, %eq3A : i32
    %jit3A_19 = arith.constant 1 : i32
    %select_n3A_20 = arith.select %eq3A_18, %jit3A_19, %jit3A_17 : i32
    %rem3A_21 = arith.remsi %add3A, %select_n3A_20 : i32
    %ne3A_22 = arith.constant 0 : i32
    %ne3A_23 = arith.cmpi ne, %rem3A_21, %ne3A_22 : i32
    %lt3A = arith.constant 0 : i32
    %lt3A_24 = arith.cmpi slt, %rem3A_21, %lt3A : i32
    %lt3A_25 = arith.constant 0 : i32
    %lt3A_26 = arith.cmpi slt, %select_n3A_20, %lt3A_25 : i32
    %ne3A_27 = arith.xori %lt3A_24, %lt3A_26 : i1
    %and3A_28 = arith.andi %ne3A_27, %ne3A_23 : i1
    %add3A_29 = arith.addi %rem3A_21, %select_n3A_20 : i32
    %select_n3A_30 = arith.select %and3A_28, %add3A_29, %rem3A_21 : i32
    %mul3A_31 = arith.constant 1024 : i32
    %mul3A_32 = arith.muli %add3A, %mul3A_31 : i32
    %mul3A_33 = arith.constant 8192 : i32
    %mul3A_34 = arith.muli %select_n3A, %mul3A_33 : i32
    "tpu.region"() ({
      %run_scoped3A = tpu.sem_alloc : memref<!tpu.dma_semaphore, #tpu.memory_space<semaphore_mem>>
      %dma_start3A_92 = tpu.memref_slice %arg2[%mul3A_34] : memref<32768xi32, #tpu.memory_space<hbm>> -> memref<8192xi32, #tpu.memory_space<hbm>>
      %dma_start3A_93 = tpu.memref_slice %arg2[%mul3A_34] : memref<32768xi32, #tpu.memory_space<hbm>> -> memref<8192xi32, #tpu.memory_space<hbm>>
      tpu.enqueue_dma source(%dma_start3A_93 : memref<8192xi32, #tpu.memory_space<hbm>>) target(%arg6 : memref<8192xi32, #tpu.memory_space<vmem>>) target_semaphore(%run_scoped3A : memref<!tpu.dma_semaphore, #tpu.memory_space<semaphore_mem>>)
      %dma_wait3A = tpu.memref_slice %arg2[%mul3A_34] : memref<32768xi32, #tpu.memory_space<hbm>> -> memref<8192xi32, #tpu.memory_space<hbm>>
      %dma_wait3A_94 = tpu.memref_slice %arg2[%mul3A_34] : memref<32768xi32, #tpu.memory_space<hbm>> -> memref<8192xi32, #tpu.memory_space<hbm>>
      tpu.wait_dma2 semaphore(%run_scoped3A : memref<!tpu.dma_semaphore, #tpu.memory_space<semaphore_mem>>) src(%dma_wait3A_94 : memref<8192xi32, #tpu.memory_space<hbm>>) dst(%arg6 : memref<8192xi32, #tpu.memory_space<vmem>>)
      tpu.yield
    }) : () -> ()
    "tpu.region"() ({
      %run_scoped3A = tpu.sem_alloc : memref<!tpu.dma_semaphore, #tpu.memory_space<semaphore_mem>>
      tpu.enqueue_dma source(%arg3 : memref<16xi32, #tpu.memory_space<hbm>>) target(%arg8 : memref<16xi32, #tpu.memory_space<vmem>>) target_semaphore(%run_scoped3A : memref<!tpu.dma_semaphore, #tpu.memory_space<semaphore_mem>>)
      tpu.wait_dma2 semaphore(%run_scoped3A : memref<!tpu.dma_semaphore, #tpu.memory_space<semaphore_mem>>) src(%arg3 : memref<16xi32, #tpu.memory_space<hbm>>) dst(%arg8 : memref<16xi32, #tpu.memory_space<vmem>>)
      tpu.yield
    }) : () -> ()
    %get3A = arith.constant 0 : index
    %get3A_35 = tpu.vector_load %arg8[%get3A] {strides = array<i32>} : memref<16xi32, #tpu.memory_space<vmem>>, vector<16xi32>,
    %mul3A_36 = arith.constant 64 : i32
    %mul3A_37 = arith.muli %select_n3A_30, %mul3A_36 : i32
    %broadcast_in_dim3A = arith.constant 0 : i32
    %broadcast_in_dim3A_38 = vector.broadcast %broadcast_in_dim3A : i32 to vector<16xi32>
    %while3A = arith.constant 0 : i32
    %while3A_39 = arith.subi %mul3A_37, %while3A : i32
    %while3A_40 = arith.addi %while3A, %while3A_39 : i32
    %while3A_41 = arith.constant 1 : i32
    %while3A_42 = arith.divsi %while3A_39, %while3A_41 : i32
    %while3A_43 = arith.muli %while3A_42, %while3A_41 : i32
    %while3A_44 = arith.addi %while3A, %while3A_43 : i32
    %while3A_45 = arith.constant 1 : i32
    %while3A_46 = scf.for %while3A_92 = %while3A to %while3A_44 step %while3A_45 iter_args(%while3A_93 = %broadcast_in_dim3A_38) -> (vector<16xi32>)  : i32 {
      %mul3A_94 = arith.constant 16 : i32
      %mul3A_95 = arith.muli %while3A_92, %mul3A_94 : i32
      %get3A_96 = arith.index_cast %mul3A_95 : i32 to index
      %get3A_97 = tpu.vector_load %arg6[%get3A_96] {strides = array<i32>} : memref<8192xi32, #tpu.memory_space<vmem>>, vector<16xi32>,
      %add3A_98 = arith.addi %while3A_93, %get3A_97 : vector<16xi32>
      scf.yield %add3A_98 : vector<16xi32>
    }
    %while3A_47 = arith.constant 1 : i32
    %while3A_48 = scf.for %while3A_92 = %while3A_44 to %while3A_40 step %while3A_47 iter_args(%while3A_93 = %while3A_46) -> (vector<16xi32>)  : i32 {
      %mul3A_94 = arith.constant 16 : i32
      %mul3A_95 = arith.muli %while3A_92, %mul3A_94 : i32
      %get3A_96 = arith.index_cast %mul3A_95 : i32 to index
      %get3A_97 = tpu.vector_load %arg6[%get3A_96] {strides = array<i32>} : memref<8192xi32, #tpu.memory_space<vmem>>, vector<16xi32>,
      %add3A_98 = arith.addi %while3A_93, %get3A_97 : vector<16xi32>
      scf.yield %add3A_98 : vector<16xi32>
    }
    %reduce_sum3A = arith.constant true
    %reduce_sum3A_49 = vector.broadcast %reduce_sum3A : i1 to vector<16xi1>
    %reduce_sum3A_50 = tpu.scan <sum>, %while3A_48 masked %reduce_sum3A_49 : vector<16xi32>, vector<16xi1> -> vector<16xi32>
    %reduce_sum3A_51 = vector.extract %reduce_sum3A_50[15] : i32 from vector<16xi32>
    %mul3A_52 = arith.constant 1024 : i32
    %mul3A_53 = arith.muli %select_n3A_30, %mul3A_52 : i32
    %scan3A = arith.constant 0 : i32
    %scan3A_54 = arith.constant 64 : i32
    %scan3A_55 = arith.addi %scan3A, %scan3A_54 : i32
    %scan3A_56 = arith.constant 1 : i32
    %scan3A_57 = scf.for %scan3A_92 = %scan3A to %scan3A_55 step %scan3A_56 iter_args(%scan3A_93 = %reduce_sum3A_51) -> (i32)  : i32 {
      %mul3A_94 = arith.constant 16 : i32
      %mul3A_95 = arith.muli %scan3A_92, %mul3A_94 : i32
      %add3A_96 = arith.addi %mul3A_53, %mul3A_95 : i32
      %get3A_97 = arith.index_cast %add3A_96 : i32 to index
      %get3A_98 = tpu.vector_load %arg6[%get3A_97] {strides = array<i32>} : memref<8192xi32, #tpu.memory_space<vmem>>, vector<16xi32>,
      %broadcast_in_dim3A_99 = arith.constant true
      %broadcast_in_dim3A_100 = vector.broadcast %broadcast_in_dim3A_99 : i1 to vector<16xi1>
      %masked_cumsum3A = tpu.scan <sum>, %get3A_98 masked %broadcast_in_dim3A_100 : vector<16xi32>, vector<16xi1> -> vector<16xi32>
      %add3A_101 = vector.broadcast %scan3A_93 : i32 to vector<16xi32>
      %add3A_102 = arith.addi %masked_cumsum3A, %add3A_101 : vector<16xi32>
      %add3A_103 = arith.addi %add3A_102, %get3A_35 : vector<16xi32>
      %mul3A_104 = arith.muli %add3A_103, %get3A_98 : vector<16xi32>
      %add3A_105 = arith.constant 1 : i32
      %add3A_106 = vector.broadcast %add3A_105 : i32 to vector<16xi32>
      %add3A_107 = arith.addi %mul3A_104, %add3A_106 : vector<16xi32>
      %swap3A = arith.index_cast %scan3A_92 : i32 to index
      %swap3A_108 = arith.constant 0 : index
      %swap3A_109 = tpu.vector_load %arg7[%swap3A, %swap3A_108] {strides = array<i32>} : memref<64x16xi32, #tpu.memory_space<vmem>>, vector<16xi32>,
      tpu.vector_store %arg7[%swap3A, %swap3A_108], %add3A_107 {strides = array<i32>} : memref<64x16xi32, #tpu.memory_space<vmem>>, vector<16xi32>,
      %reduce_sum3A_110 = arith.constant true
      %reduce_sum3A_111 = vector.broadcast %reduce_sum3A_110 : i1 to vector<16xi1>
      %reduce_sum3A_112 = tpu.scan <sum>, %get3A_98 masked %reduce_sum3A_111 : vector<16xi32>, vector<16xi1> -> vector<16xi32>
      %reduce_sum3A_113 = vector.extract %reduce_sum3A_112[15] : i32 from vector<16xi32>
      %add3A_114 = arith.addi %scan3A_93, %reduce_sum3A_113 : i32
      scf.yield %add3A_114 : i32
    }
    %scan3A_58 = arith.constant 64 : i32
    %dma_start3A = arith.constant 0 : i32
    %dma_start3A_59 = arith.constant 0 : i32
    %dma_start3A_60 = tpu.memref_slice %arg7[%dma_start3A, %dma_start3A_59] : memref<64x16xi32, #tpu.memory_space<vmem>> -> memref<1x16xi32, #tpu.memory_space<vmem>>
    %dma_start3A_61 = tpu.memref_squeeze %dma_start3A_60 : memref<1x16xi32, #tpu.memory_space<vmem>> -> memref<16xi32, #tpu.memory_space<vmem>>
    %dma_start3A_62 = arith.constant 0 : i32
    %dma_start3A_63 = arith.constant 0 : i32
    %dma_start3A_64 = tpu.memref_slice %arg4[%dma_start3A_62, %dma_start3A_63] : memref<8194x1024xf32, #tpu.memory_space<hbm>> -> memref<8194x1024xf32, #tpu.memory_space<hbm>>
    tpu.enqueue_indirect_dma source(%dma_start3A_64 : memref<8194x1024xf32, #tpu.memory_space<hbm>>) target(%arg9 : memref<16x1024xf32, #tpu.memory_space<vmem>>) offsets(%dma_start3A_61 : memref<16xi32, #tpu.memory_space<vmem>>) semaphore(%arg13 : memref<!tpu.dma_semaphore, #tpu.memory_space<semaphore_mem>>)
    %dma_start3A_65 = arith.constant 1 : i32
    %dma_start3A_66 = arith.constant 0 : i32
    %dma_start3A_67 = tpu.memref_slice %arg7[%dma_start3A_65, %dma_start3A_66] : memref<64x16xi32, #tpu.memory_space<vmem>> -> memref<1x16xi32, #tpu.memory_space<vmem>>
    %dma_start3A_68 = tpu.memref_squeeze %dma_start3A_67 : memref<1x16xi32, #tpu.memory_space<vmem>> -> memref<16xi32, #tpu.memory_space<vmem>>
    %dma_start3A_69 = arith.constant 0 : i32
    %dma_start3A_70 = arith.constant 0 : i32
    %dma_start3A_71 = tpu.memref_slice %arg4[%dma_start3A_69, %dma_start3A_70] : memref<8194x1024xf32, #tpu.memory_space<hbm>> -> memref<8194x1024xf32, #tpu.memory_space<hbm>>
    tpu.enqueue_indirect_dma source(%dma_start3A_71 : memref<8194x1024xf32, #tpu.memory_space<hbm>>) target(%arg10 : memref<16x1024xf32, #tpu.memory_space<vmem>>) offsets(%dma_start3A_68 : memref<16xi32, #tpu.memory_space<vmem>>) semaphore(%arg14 : memref<!tpu.dma_semaphore, #tpu.memory_space<semaphore_mem>>)
    %dma_start3A_72 = arith.constant 2 : i32
    %dma_start3A_73 = arith.constant 0 : i32
    %dma_start3A_74 = tpu.memref_slice %arg7[%dma_start3A_72, %dma_start3A_73] : memref<64x16xi32, #tpu.memory_space<vmem>> -> memref<1x16xi32, #tpu.memory_space<vmem>>
    %dma_start3A_75 = tpu.memref_squeeze %dma_start3A_74 : memref<1x16xi32, #tpu.memory_space<vmem>> -> memref<16xi32, #tpu.memory_space<vmem>>
    %dma_start3A_76 = arith.constant 0 : i32
    %dma_start3A_77 = arith.constant 0 : i32
    %dma_start3A_78 = tpu.memref_slice %arg4[%dma_start3A_76, %dma_start3A_77] : memref<8194x1024xf32, #tpu.memory_space<hbm>> -> memref<8194x1024xf32, #tpu.memory_space<hbm>>
    tpu.enqueue_indirect_dma source(%dma_start3A_78 : memref<8194x1024xf32, #tpu.memory_space<hbm>>) target(%arg11 : memref<16x1024xf32, #tpu.memory_space<vmem>>) offsets(%dma_start3A_75 : memref<16xi32, #tpu.memory_space<vmem>>) semaphore(%arg15 : memref<!tpu.dma_semaphore, #tpu.memory_space<semaphore_mem>>)
    %dma_start3A_79 = arith.constant 3 : i32
    %dma_start3A_80 = arith.constant 0 : i32
    %dma_start3A_81 = tpu.memref_slice %arg7[%dma_start3A_79, %dma_start3A_80] : memref<64x16xi32, #tpu.memory_space<vmem>> -> memref<1x16xi32, #tpu.memory_space<vmem>>
    %dma_start3A_82 = tpu.memref_squeeze %dma_start3A_81 : memref<1x16xi32, #tpu.memory_space<vmem>> -> memref<16xi32, #tpu.memory_space<vmem>>
    %dma_start3A_83 = arith.constant 0 : i32
    %dma_start3A_84 = arith.constant 0 : i32
    %dma_start3A_85 = tpu.memref_slice %arg4[%dma_start3A_83, %dma_start3A_84] : memref<8194x1024xf32, #tpu.memory_space<hbm>> -> memref<8194x1024xf32, #tpu.memory_space<hbm>>
    tpu.enqueue_indirect_dma source(%dma_start3A_85 : memref<8194x1024xf32, #tpu.memory_space<hbm>>) target(%arg12 : memref<16x1024xf32, #tpu.memory_space<vmem>>) offsets(%dma_start3A_82 : memref<16xi32, #tpu.memory_space<vmem>>) semaphore(%arg16 : memref<!tpu.dma_semaphore, #tpu.memory_space<semaphore_mem>>)
    %scan3A_86 = arith.constant 0 : i32
    %scan3A_87 = arith.constant 0 : i32
    %scan3A_88 = arith.constant 16 : i32
    %scan3A_89 = arith.addi %scan3A_87, %scan3A_88 : i32
    %scan3A_90 = arith.constant 1 : i32
    scf.for %scan3A_92 = %scan3A_87 to %scan3A_89 step %scan3A_90  : i32 {
      %mul3A_93 = arith.constant 4 : i32
      %mul3A_94 = arith.muli %scan3A_92, %mul3A_93 : i32
      %add3A_95 = arith.constant 0 : i32
      %add3A_96 = arith.addi %mul3A_94, %add3A_95 : i32
      %dma_wait3A = arith.constant 0 : i32
      %dma_wait3A_97 = tpu.memref_slice %arg7[%add3A_96, %dma_wait3A] : memref<64x16xi32, #tpu.memory_space<vmem>> -> memref<1x16xi32, #tpu.memory_space<vmem>>
      %dma_wait3A_98 = tpu.memref_squeeze %dma_wait3A_97 : memref<1x16xi32, #tpu.memory_space<vmem>> -> memref<16xi32, #tpu.memory_space<vmem>>
      %dma_wait3A_99 = arith.constant 0 : i32
      %dma_wait3A_100 = arith.constant 0 : i32
      %dma_wait3A_101 = tpu.memref_slice %arg4[%dma_wait3A_99, %dma_wait3A_100] : memref<8194x1024xf32, #tpu.memory_space<hbm>> -> memref<8194x1024xf32, #tpu.memory_space<hbm>>
      tpu.wait_indirect_dma semaphore(%arg13 : memref<!tpu.dma_semaphore, #tpu.memory_space<semaphore_mem>>) src(%dma_wait3A_101 : memref<8194x1024xf32, #tpu.memory_space<hbm>>) dst(%arg9 : memref<16x1024xf32, #tpu.memory_space<vmem>>)
      %mul3A_102 = arith.constant 16 : i32
      %mul3A_103 = arith.muli %add3A_96, %mul3A_102 : i32
      %add3A_104 = arith.addi %mul3A_32, %mul3A_103 : i32
      "tpu.region"() ({
        %run_scoped3A = tpu.sem_alloc : memref<!tpu.dma_semaphore, #tpu.memory_space<semaphore_mem>>
        %dma_start3A_170 = arith.constant 0 : i32
        %dma_start3A_171 = tpu.memref_slice %arg5[%add3A_104, %dma_start3A_170] : memref<32768x1024xf32, #tpu.memory_space<hbm>> -> memref<16x1024xf32, #tpu.memory_space<hbm>>
        %dma_start3A_172 = arith.constant 0 : i32
        %dma_start3A_173 = tpu.memref_slice %arg5[%add3A_104, %dma_start3A_172] : memref<32768x1024xf32, #tpu.memory_space<hbm>> -> memref<16x1024xf32, #tpu.memory_space<hbm>>
        tpu.enqueue_dma source(%arg9 : memref<16x1024xf32, #tpu.memory_space<vmem>>) target(%dma_start3A_173 : memref<16x1024xf32, #tpu.memory_space<hbm>>) target_semaphore(%run_scoped3A : memref<!tpu.dma_semaphore, #tpu.memory_space<semaphore_mem>>)
        %dma_wait3A_174 = arith.constant 0 : i32
        %dma_wait3A_175 = tpu.memref_slice %arg5[%add3A_104, %dma_wait3A_174] : memref<32768x1024xf32, #tpu.memory_space<hbm>> -> memref<16x1024xf32, #tpu.memory_space<hbm>>
        %dma_wait3A_176 = arith.constant 0 : i32
        %dma_wait3A_177 = tpu.memref_slice %arg5[%add3A_104, %dma_wait3A_176] : memref<32768x1024xf32, #tpu.memory_space<hbm>> -> memref<16x1024xf32, #tpu.memory_space<hbm>>
        tpu.wait_dma2 semaphore(%run_scoped3A : memref<!tpu.dma_semaphore, #tpu.memory_space<semaphore_mem>>) src(%arg9 : memref<16x1024xf32, #tpu.memory_space<vmem>>) dst(%dma_wait3A_177 : memref<16x1024xf32, #tpu.memory_space<hbm>>)
        tpu.yield
      }) : () -> ()
      %add3A_105 = arith.constant 4 : i32
      %add3A_106 = arith.addi %add3A_96, %add3A_105 : i32
      %lt3A_107 = arith.constant 64 : i32
      %lt3A_108 = arith.cmpi slt, %add3A_106, %lt3A_107 : i32
      %convert_element_type3A = arith.extui %lt3A_108 : i1 to i32
      %cond3A = arith.constant 0 : i32
      %cond3A_109 = arith.cmpi ne, %convert_element_type3A, %cond3A : i32
      scf.if %cond3A_109 {
        %add3A_170 = arith.constant 4 : i32
        %add3A_171 = arith.addi %add3A_96, %add3A_170 : i32
        %dma_start3A_172 = arith.constant 0 : i32
        %dma_start3A_173 = tpu.memref_slice %arg7[%add3A_171, %dma_start3A_172] : memref<64x16xi32, #tpu.memory_space<vmem>> -> memref<1x16xi32, #tpu.memory_space<vmem>>
        %dma_start3A_174 = tpu.memref_squeeze %dma_start3A_173 : memref<1x16xi32, #tpu.memory_space<vmem>> -> memref<16xi32, #tpu.memory_space<vmem>>
        %dma_start3A_175 = arith.constant 0 : i32
        %dma_start3A_176 = arith.constant 0 : i32
        %dma_start3A_177 = tpu.memref_slice %arg4[%dma_start3A_175, %dma_start3A_176] : memref<8194x1024xf32, #tpu.memory_space<hbm>> -> memref<8194x1024xf32, #tpu.memory_space<hbm>>
        tpu.enqueue_indirect_dma source(%dma_start3A_177 : memref<8194x1024xf32, #tpu.memory_space<hbm>>) target(%arg9 : memref<16x1024xf32, #tpu.memory_space<vmem>>) offsets(%dma_start3A_174 : memref<16xi32, #tpu.memory_space<vmem>>) semaphore(%arg13 : memref<!tpu.dma_semaphore, #tpu.memory_space<semaphore_mem>>)
      } else {
      }
      %mul3A_110 = arith.constant 4 : i32
      %mul3A_111 = arith.muli %scan3A_92, %mul3A_110 : i32
      %add3A_112 = arith.constant 1 : i32
      %add3A_113 = arith.addi %mul3A_111, %add3A_112 : i32
      %dma_wait3A_114 = arith.constant 0 : i32
      %dma_wait3A_115 = tpu.memref_slice %arg7[%add3A_113, %dma_wait3A_114] : memref<64x16xi32, #tpu.memory_space<vmem>> -> memref<1x16xi32, #tpu.memory_space<vmem>>
      %dma_wait3A_116 = tpu.memref_squeeze %dma_wait3A_115 : memref<1x16xi32, #tpu.memory_space<vmem>> -> memref<16xi32, #tpu.memory_space<vmem>>
      %dma_wait3A_117 = arith.constant 0 : i32
      %dma_wait3A_118 = arith.constant 0 : i32
      %dma_wait3A_119 = tpu.memref_slice %arg4[%dma_wait3A_117, %dma_wait3A_118] : memref<8194x1024xf32, #tpu.memory_space<hbm>> -> memref<8194x1024xf32, #tpu.memory_space<hbm>>
      tpu.wait_indirect_dma semaphore(%arg14 : memref<!tpu.dma_semaphore, #tpu.memory_space<semaphore_mem>>) src(%dma_wait3A_119 : memref<8194x1024xf32, #tpu.memory_space<hbm>>) dst(%arg10 : memref<16x1024xf32, #tpu.memory_space<vmem>>)
      %mul3A_120 = arith.constant 16 : i32
      %mul3A_121 = arith.muli %add3A_113, %mul3A_120 : i32
      %add3A_122 = arith.addi %mul3A_32, %mul3A_121 : i32
      "tpu.region"() ({
        %run_scoped3A = tpu.sem_alloc : memref<!tpu.dma_semaphore, #tpu.memory_space<semaphore_mem>>
        %dma_start3A_170 = arith.constant 0 : i32
        %dma_start3A_171 = tpu.memref_slice %arg5[%add3A_122, %dma_start3A_170] : memref<32768x1024xf32, #tpu.memory_space<hbm>> -> memref<16x1024xf32, #tpu.memory_space<hbm>>
        %dma_start3A_172 = arith.constant 0 : i32
        %dma_start3A_173 = tpu.memref_slice %arg5[%add3A_122, %dma_start3A_172] : memref<32768x1024xf32, #tpu.memory_space<hbm>> -> memref<16x1024xf32, #tpu.memory_space<hbm>>
        tpu.enqueue_dma source(%arg10 : memref<16x1024xf32, #tpu.memory_space<vmem>>) target(%dma_start3A_173 : memref<16x1024xf32, #tpu.memory_space<hbm>>) target_semaphore(%run_scoped3A : memref<!tpu.dma_semaphore, #tpu.memory_space<semaphore_mem>>)
        %dma_wait3A_174 = arith.constant 0 : i32
        %dma_wait3A_175 = tpu.memref_slice %arg5[%add3A_122, %dma_wait3A_174] : memref<32768x1024xf32, #tpu.memory_space<hbm>> -> memref<16x1024xf32, #tpu.memory_space<hbm>>
        %dma_wait3A_176 = arith.constant 0 : i32
        %dma_wait3A_177 = tpu.memref_slice %arg5[%add3A_122, %dma_wait3A_176] : memref<32768x1024xf32, #tpu.memory_space<hbm>> -> memref<16x1024xf32, #tpu.memory_space<hbm>>
        tpu.wait_dma2 semaphore(%run_scoped3A : memref<!tpu.dma_semaphore, #tpu.memory_space<semaphore_mem>>) src(%arg10 : memref<16x1024xf32, #tpu.memory_space<vmem>>) dst(%dma_wait3A_177 : memref<16x1024xf32, #tpu.memory_space<hbm>>)
        tpu.yield
      }) : () -> ()
      %add3A_123 = arith.constant 4 : i32
      %add3A_124 = arith.addi %add3A_113, %add3A_123 : i32
      %lt3A_125 = arith.constant 64 : i32
      %lt3A_126 = arith.cmpi slt, %add3A_124, %lt3A_125 : i32
      %convert_element_type3A_127 = arith.extui %lt3A_126 : i1 to i32
      %cond3A_128 = arith.constant 0 : i32
      %cond3A_129 = arith.cmpi ne, %convert_element_type3A_127, %cond3A_128 : i32
      scf.if %cond3A_129 {
        %add3A_170 = arith.constant 4 : i32
        %add3A_171 = arith.addi %add3A_113, %add3A_170 : i32
        %dma_start3A_172 = arith.constant 0 : i32
        %dma_start3A_173 = tpu.memref_slice %arg7[%add3A_171, %dma_start3A_172] : memref<64x16xi32, #tpu.memory_space<vmem>> -> memref<1x16xi32, #tpu.memory_space<vmem>>
        %dma_start3A_174 = tpu.memref_squeeze %dma_start3A_173 : memref<1x16xi32, #tpu.memory_space<vmem>> -> memref<16xi32, #tpu.memory_space<vmem>>
        %dma_start3A_175 = arith.constant 0 : i32
        %dma_start3A_176 = arith.constant 0 : i32
        %dma_start3A_177 = tpu.memref_slice %arg4[%dma_start3A_175, %dma_start3A_176] : memref<8194x1024xf32, #tpu.memory_space<hbm>> -> memref<8194x1024xf32, #tpu.memory_space<hbm>>
        tpu.enqueue_indirect_dma source(%dma_start3A_177 : memref<8194x1024xf32, #tpu.memory_space<hbm>>) target(%arg10 : memref<16x1024xf32, #tpu.memory_space<vmem>>) offsets(%dma_start3A_174 : memref<16xi32, #tpu.memory_space<vmem>>) semaphore(%arg14 : memref<!tpu.dma_semaphore, #tpu.memory_space<semaphore_mem>>)
      } else {
      }
      %mul3A_130 = arith.constant 4 : i32
      %mul3A_131 = arith.muli %scan3A_92, %mul3A_130 : i32
      %add3A_132 = arith.constant 2 : i32
      %add3A_133 = arith.addi %mul3A_131, %add3A_132 : i32
      %dma_wait3A_134 = arith.constant 0 : i32
      %dma_wait3A_135 = tpu.memref_slice %arg7[%add3A_133, %dma_wait3A_134] : memref<64x16xi32, #tpu.memory_space<vmem>> -> memref<1x16xi32, #tpu.memory_space<vmem>>
      %dma_wait3A_136 = tpu.memref_squeeze %dma_wait3A_135 : memref<1x16xi32, #tpu.memory_space<vmem>> -> memref<16xi32, #tpu.memory_space<vmem>>
      %dma_wait3A_137 = arith.constant 0 : i32
      %dma_wait3A_138 = arith.constant 0 : i32
      %dma_wait3A_139 = tpu.memref_slice %arg4[%dma_wait3A_137, %dma_wait3A_138] : memref<8194x1024xf32, #tpu.memory_space<hbm>> -> memref<8194x1024xf32, #tpu.memory_space<hbm>>
      tpu.wait_indirect_dma semaphore(%arg15 : memref<!tpu.dma_semaphore, #tpu.memory_space<semaphore_mem>>) src(%dma_wait3A_139 : memref<8194x1024xf32, #tpu.memory_space<hbm>>) dst(%arg11 : memref<16x1024xf32, #tpu.memory_space<vmem>>)
      %mul3A_140 = arith.constant 16 : i32
      %mul3A_141 = arith.muli %add3A_133, %mul3A_140 : i32
      %add3A_142 = arith.addi %mul3A_32, %mul3A_141 : i32
      "tpu.region"() ({
        %run_scoped3A = tpu.sem_alloc : memref<!tpu.dma_semaphore, #tpu.memory_space<semaphore_mem>>
        %dma_start3A_170 = arith.constant 0 : i32
        %dma_start3A_171 = tpu.memref_slice %arg5[%add3A_142, %dma_start3A_170] : memref<32768x1024xf32, #tpu.memory_space<hbm>> -> memref<16x1024xf32, #tpu.memory_space<hbm>>
        %dma_start3A_172 = arith.constant 0 : i32
        %dma_start3A_173 = tpu.memref_slice %arg5[%add3A_142, %dma_start3A_172] : memref<32768x1024xf32, #tpu.memory_space<hbm>> -> memref<16x1024xf32, #tpu.memory_space<hbm>>
        tpu.enqueue_dma source(%arg11 : memref<16x1024xf32, #tpu.memory_space<vmem>>) target(%dma_start3A_173 : memref<16x1024xf32, #tpu.memory_space<hbm>>) target_semaphore(%run_scoped3A : memref<!tpu.dma_semaphore, #tpu.memory_space<semaphore_mem>>)
        %dma_wait3A_174 = arith.constant 0 : i32
        %dma_wait3A_175 = tpu.memref_slice %arg5[%add3A_142, %dma_wait3A_174] : memref<32768x1024xf32, #tpu.memory_space<hbm>> -> memref<16x1024xf32, #tpu.memory_space<hbm>>
        %dma_wait3A_176 = arith.constant 0 : i32
        %dma_wait3A_177 = tpu.memref_slice %arg5[%add3A_142, %dma_wait3A_176] : memref<32768x1024xf32, #tpu.memory_space<hbm>> -> memref<16x1024xf32, #tpu.memory_space<hbm>>
        tpu.wait_dma2 semaphore(%run_scoped3A : memref<!tpu.dma_semaphore, #tpu.memory_space<semaphore_mem>>) src(%arg11 : memref<16x1024xf32, #tpu.memory_space<vmem>>) dst(%dma_wait3A_177 : memref<16x1024xf32, #tpu.memory_space<hbm>>)
        tpu.yield
      }) : () -> ()
      %add3A_143 = arith.constant 4 : i32
      %add3A_144 = arith.addi %add3A_133, %add3A_143 : i32
      %lt3A_145 = arith.constant 64 : i32
      %lt3A_146 = arith.cmpi slt, %add3A_144, %lt3A_145 : i32
      %convert_element_type3A_147 = arith.extui %lt3A_146 : i1 to i32
      %cond3A_148 = arith.constant 0 : i32
      %cond3A_149 = arith.cmpi ne, %convert_element_type3A_147, %cond3A_148 : i32
      scf.if %cond3A_149 {
        %add3A_170 = arith.constant 4 : i32
        %add3A_171 = arith.addi %add3A_133, %add3A_170 : i32
        %dma_start3A_172 = arith.constant 0 : i32
        %dma_start3A_173 = tpu.memref_slice %arg7[%add3A_171, %dma_start3A_172] : memref<64x16xi32, #tpu.memory_space<vmem>> -> memref<1x16xi32, #tpu.memory_space<vmem>>
        %dma_start3A_174 = tpu.memref_squeeze %dma_start3A_173 : memref<1x16xi32, #tpu.memory_space<vmem>> -> memref<16xi32, #tpu.memory_space<vmem>>
        %dma_start3A_175 = arith.constant 0 : i32
        %dma_start3A_176 = arith.constant 0 : i32
        %dma_start3A_177 = tpu.memref_slice %arg4[%dma_start3A_175, %dma_start3A_176] : memref<8194x1024xf32, #tpu.memory_space<hbm>> -> memref<8194x1024xf32, #tpu.memory_space<hbm>>
        tpu.enqueue_indirect_dma source(%dma_start3A_177 : memref<8194x1024xf32, #tpu.memory_space<hbm>>) target(%arg11 : memref<16x1024xf32, #tpu.memory_space<vmem>>) offsets(%dma_start3A_174 : memref<16xi32, #tpu.memory_space<vmem>>) semaphore(%arg15 : memref<!tpu.dma_semaphore, #tpu.memory_space<semaphore_mem>>)
      } else {
      }
      %mul3A_150 = arith.constant 4 : i32
      %mul3A_151 = arith.muli %scan3A_92, %mul3A_150 : i32
      %add3A_152 = arith.constant 3 : i32
      %add3A_153 = arith.addi %mul3A_151, %add3A_152 : i32
      %dma_wait3A_154 = arith.constant 0 : i32
      %dma_wait3A_155 = tpu.memref_slice %arg7[%add3A_153, %dma_wait3A_154] : memref<64x16xi32, #tpu.memory_space<vmem>> -> memref<1x16xi32, #tpu.memory_space<vmem>>
      %dma_wait3A_156 = tpu.memref_squeeze %dma_wait3A_155 : memref<1x16xi32, #tpu.memory_space<vmem>> -> memref<16xi32, #tpu.memory_space<vmem>>
      %dma_wait3A_157 = arith.constant 0 : i32
      %dma_wait3A_158 = arith.constant 0 : i32
      %dma_wait3A_159 = tpu.memref_slice %arg4[%dma_wait3A_157, %dma_wait3A_158] : memref<8194x1024xf32, #tpu.memory_space<hbm>> -> memref<8194x1024xf32, #tpu.memory_space<hbm>>
      tpu.wait_indirect_dma semaphore(%arg16 : memref<!tpu.dma_semaphore, #tpu.memory_space<semaphore_mem>>) src(%dma_wait3A_159 : memref<8194x1024xf32, #tpu.memory_space<hbm>>) dst(%arg12 : memref<16x1024xf32, #tpu.memory_space<vmem>>)
      %mul3A_160 = arith.constant 16 : i32
      %mul3A_161 = arith.muli %add3A_153, %mul3A_160 : i32
      %add3A_162 = arith.addi %mul3A_32, %mul3A_161 : i32
      "tpu.region"() ({
        %run_scoped3A = tpu.sem_alloc : memref<!tpu.dma_semaphore, #tpu.memory_space<semaphore_mem>>
        %dma_start3A_170 = arith.constant 0 : i32
        %dma_start3A_171 = tpu.memref_slice %arg5[%add3A_162, %dma_start3A_170] : memref<32768x1024xf32, #tpu.memory_space<hbm>> -> memref<16x1024xf32, #tpu.memory_space<hbm>>
        %dma_start3A_172 = arith.constant 0 : i32
        %dma_start3A_173 = tpu.memref_slice %arg5[%add3A_162, %dma_start3A_172] : memref<32768x1024xf32, #tpu.memory_space<hbm>> -> memref<16x1024xf32, #tpu.memory_space<hbm>>
        tpu.enqueue_dma source(%arg12 : memref<16x1024xf32, #tpu.memory_space<vmem>>) target(%dma_start3A_173 : memref<16x1024xf32, #tpu.memory_space<hbm>>) target_semaphore(%run_scoped3A : memref<!tpu.dma_semaphore, #tpu.memory_space<semaphore_mem>>)
        %dma_wait3A_174 = arith.constant 0 : i32
        %dma_wait3A_175 = tpu.memref_slice %arg5[%add3A_162, %dma_wait3A_174] : memref<32768x1024xf32, #tpu.memory_space<hbm>> -> memref<16x1024xf32, #tpu.memory_space<hbm>>
        %dma_wait3A_176 = arith.constant 0 : i32
        %dma_wait3A_177 = tpu.memref_slice %arg5[%add3A_162, %dma_wait3A_176] : memref<32768x1024xf32, #tpu.memory_space<hbm>> -> memref<16x1024xf32, #tpu.memory_space<hbm>>
        tpu.wait_dma2 semaphore(%run_scoped3A : memref<!tpu.dma_semaphore, #tpu.memory_space<semaphore_mem>>) src(%arg12 : memref<16x1024xf32, #tpu.memory_space<vmem>>) dst(%dma_wait3A_177 : memref<16x1024xf32, #tpu.memory_space<hbm>>)
        tpu.yield
      }) : () -> ()
      %add3A_163 = arith.constant 4 : i32
      %add3A_164 = arith.addi %add3A_153, %add3A_163 : i32
      %lt3A_165 = arith.constant 64 : i32
      %lt3A_166 = arith.cmpi slt, %add3A_164, %lt3A_165 : i32
      %convert_element_type3A_167 = arith.extui %lt3A_166 : i1 to i32
      %cond3A_168 = arith.constant 0 : i32
      %cond3A_169 = arith.cmpi ne, %convert_element_type3A_167, %cond3A_168 : i32
      scf.if %cond3A_169 {
        %add3A_170 = arith.constant 4 : i32
        %add3A_171 = arith.addi %add3A_153, %add3A_170 : i32
        %dma_start3A_172 = arith.constant 0 : i32
        %dma_start3A_173 = tpu.memref_slice %arg7[%add3A_171, %dma_start3A_172] : memref<64x16xi32, #tpu.memory_space<vmem>> -> memref<1x16xi32, #tpu.memory_space<vmem>>
        %dma_start3A_174 = tpu.memref_squeeze %dma_start3A_173 : memref<1x16xi32, #tpu.memory_space<vmem>> -> memref<16xi32, #tpu.memory_space<vmem>>
        %dma_start3A_175 = arith.constant 0 : i32
        %dma_start3A_176 = arith.constant 0 : i32
        %dma_start3A_177 = tpu.memref_slice %arg4[%dma_start3A_175, %dma_start3A_176] : memref<8194x1024xf32, #tpu.memory_space<hbm>> -> memref<8194x1024xf32, #tpu.memory_space<hbm>>
        tpu.enqueue_indirect_dma source(%dma_start3A_177 : memref<8194x1024xf32, #tpu.memory_space<hbm>>) target(%arg12 : memref<16x1024xf32, #tpu.memory_space<vmem>>) offsets(%dma_start3A_174 : memref<16xi32, #tpu.memory_space<vmem>>) semaphore(%arg16 : memref<!tpu.dma_semaphore, #tpu.memory_space<semaphore_mem>>)
      } else {
      }
    }
    %scan3A_91 = arith.constant 16 : i32
    return
  }
}

</mosaic_0001>

<sc_bundles>
// kernel: _sc_embed.3.cloned.1.call-start
scs
__scs_entry_jumppad:
0x0: {  	(pc) =	sbr.rel $0x88, $3  }
0x1: {  	(tag) =	ssettag $0x0;
	lr =	simm.s32 $0x1  }
0x2: {  	[smem:$0x3F9E] =	sst lr;
	_ =	strace $0xD0000000  }
0x3: {  	_ = 	snop  }
0x4: {  	_ = 	snop  }
0x5: {  	_ = 	snop  }
0x6: {  	_ = 	snop  }
0x7: {  	_ = 	snop  }
__scs_overlays_trampoline_lowered:
0x8: {  	[smem:$0x3FAD] =	sst s0  }
0x9: {  	[smem:$0x3FAE] =	sst s1  }
0xa: {  	[smem:$0x3FAF] =	sst s2  }
0xb: {  	[smem:$0x3FB0] =	sst s3  }
0xc: {  	[smem:$0x3FB1] =	sst s4  }
0xd: {  	[smem:$0x3FB2] =	sst s5  }
0xe: {  	[smem:$0x3FB3] =	sst s6  }
0xf: {  	[smem:$0x3FB4] =	sst s7  }
0x10: {  	[smem:$0x3FB5] =	sst s8  }
0x11: {  	[smem:$0x3FB6] =	sst s9;
	s0 =	simm.s32 @!p0 $0x0  }
0x12: {  	s1 =	sld [smem:$0x3F9C];
	s0 =	simm.s32 @p0 $0x1  }
0x13: {  	[smem:$0x3FB7] =	sst s0;
	s0 =	simm.s32 @!p1 $0x0  }
0x14: {  	s2 =	sld [smem:$0x3F9B];
	s0 =	simm.s32 @p1 $0x1  }
0x15: {  	[smem:$0x3FB8] =	sst s0;
	s0 =	simm.s32 @!p2 $0x0  }
0x16: {  	s3 =	sld [smem:$0x3FDB];
	s0 =	simm.s32 @p2 $0x1  }
0x17: {  	s4 =	simm.s32 $0x1BF5;
	[smem:$0x3FBA] =	sst s0  }
0x18: {  	s0 =	sld [smem:$0x3F9D];
	_ =	swait.ge [sflag:s4], $0x0  }
0x19: {  	s7 =	sld [smem:$0x3F9E]  }
0x1a: {  	s8 =	sadd.s32 $0xFFFFE003, lr  }
0x1b: {  	s9 =	sadd.s32 $0xFFFFFEF7, lr;
	s5 =	simm.s32 $0xFFFFFFFF;
	p2 =	slt.u32 s8, $0xFFFFF086  }
0x1c: {  	p1 =	slt.u32 s9, $0xF7A;
	s5 =	simm.s32 @!p2 $0x0  }
0x1d: {  	s5 =	simm.s32 @p1 $0x1;
	p0 =	seq.s32 s7, s2  }
0x1e: {  	s7 =	smul.u32 @!p0 $0xF7A, s2;
	p2 =	seq.s32 @!p0 s5, $0x0  }
0x1f: {  	s9 =	smul.u32 $0xF7A, s1;
	s8 =	simm.s32 @!p0 $0x1BF5;
	p2 =	por !p2, p0  }
0x20: {  	[sflag:s8] =	ssyncset.s32 @!p0 $0xFFFFF086;
	s6 =	sadd.s32 @!p0 s3, s7;
	s7 =	simm.s32 @!p0 $0x108  }
0x21: {  	s3 =	sadd.s32 s3, s9;
	s6 =	sadd.s32 @!p0 $0x88, s6;
	s7 =	simm.s32 @p2 $0x1082  }
0x22: {  	[simem:s7], [sflag:s8] =	dma.local @!p0 [hbm:s6], $0xF7A  }
0x23: {  	s9 =	sor.u32 $0xD0000000, s2;
	s6 =	simm.s32 $0x108;
	_ =	swait.ge @!p0 [sflag:s8], $0x0  }
0x24: {  	s3 =	sadd.s32 $0x88, s3;
	s6 =	simm.s32 @!p1 $0x1082;
	[sflag:s4] =	ssyncset.s32 $0xFFFFF086  }
0x25: {  	[simem:s6], [sflag:s4] =	dma.local [hbm:s3], $0xF7A  }
0x26: {  	[smem:$0x3F9E] =	sst s1;
	(tag) =	ssettag s2;
	_ =	strace s9  }
0x27: {  	s1 =	sld [smem:$0x3FAE]  }
0x28: {  	s2 =	sld [smem:$0x3FAF]  }
0x29: {  	s4 =	sld [smem:$0x3FB1]  }
0x2a: {  	p0 =	seq.s32 s5, $0x0;
	s5 =	sld [smem:$0x3FB2]  }
0x2b: {  	s6 =	sld [smem:$0x3FB3]  }
0x2c: {  	s7 =	sld [smem:$0x3FB4]  }
0x2d: {  	s3 =	simm.s32 $0x108;
	s8 =	sld [smem:$0x3FB5]  }
0x2e: {  	s3 =	simm.s32 @!p0 $0x1082;
	s9 =	sld [smem:$0x3FB6]  }
0x2f: {  	lr =	sadd.s32 s0, s3;
	s0 =	sld [smem:$0x3FAD]  }
0x30: {  	s3 =	sld [smem:$0x3FB0]  }
0x31: {  	[smem:$0x3FB9] =	sst s10  }
0x32: {  	s10 =	sld [smem:$0x3FB7];
	_ =	sdelay $0x3  }
0x33: {  	p0 =	seq.s32 s10, $0x1;
	s10 =	sld [smem:$0x3FB9];
	_ =	sdelay $0x3  }
0x34: {  	[smem:$0x3FB9] =	sst s10  }
0x35: {  	s10 =	sld [smem:$0x3FB8];
	_ =	sdelay $0x3  }
0x36: {  	p1 =	seq.s32 s10, $0x1;
	s10 =	sld [smem:$0x3FB9];
	_ =	sdelay $0x3  }
0x37: {  	[smem:$0x3FB9] =	sst s10  }
0x38: {  	s10 =	sld [smem:$0x3FBA]  }
0x39: {  	_ = 	snop;
	(pc) =	sbr.ind lr, $3  }
0x3a: {  	_ = 	snop  }
0x3b: {  	_ = 	snop  }
0x3c: {  	p2 =	seq.s32 s10, $0x1;
	s10 =	sld [smem:$0x3FB9]  }
0x3d: {  	_ =	shalt  }
0x3e: {  	_ =	shalt  }
0x3f: {  	_ =	shalt  }
0x40: {  	_ =	shalt  }
0x41: {  	_ =	shalt  }
0x42: {  	_ =	shalt  }
0x43: {  	_ =	shalt  }
0x44: {  	_ =	shalt  }
0x45: {  	_ =	shalt  }
0x46: {  	_ =	shalt  }
0x47: {  	_ =	shalt  }
0x48: {  	_ =	shalt  }
0x49: {  	_ =	shalt  }
0x4a: {  	_ =	shalt  }
0x4b: {  	_ =	shalt  }
0x4c: {  	_ =	shalt  }
0x4d: {  	_ =	shalt  }
0x4e: {  	_ =	shalt  }
0x4f: {  	_ =	shalt  }
0x50: {  	_ =	shalt  }
0x51: {  	_ =	shalt  }
0x52: {  	_ =	shalt  }
0x53: {  	_ =	shalt  }
0x54: {  	_ =	shalt  }
0x55: {  	_ =	shalt  }
0x56: {  	_ =	shalt  }
0x57: {  	_ =	shalt  }
0x58: {  	_ =	shalt  }
0x59: {  	_ =	shalt  }
0x5a: {  	_ =	shalt  }
0x5b: {  	_ =	shalt  }
0x5c: {  	_ =	shalt  }
0x5d: {  	_ =	shalt  }
0x5e: {  	_ =	shalt  }
0x5f: {  	_ =	shalt  }
0x60: {  	_ =	shalt  }
0x61: {  	_ =	shalt  }
0x62: {  	_ =	shalt  }
0x63: {  	_ =	shalt  }
0x64: {  	_ =	shalt  }
0x65: {  	_ =	shalt  }
0x66: {  	_ =	shalt  }
0x67: {  	_ =	shalt  }
0x68: {  	_ =	shalt  }
0x69: {  	_ =	shalt  }
0x6a: {  	_ =	shalt  }
0x6b: {  	_ =	shalt  }
0x6c: {  	_ =	shalt  }
0x6d: {  	_ =	shalt  }
0x6e: {  	_ =	shalt  }
0x6f: {  	_ =	shalt  }
0x70: {  	_ =	shalt  }
0x71: {  	_ =	shalt  }
0x72: {  	_ =	shalt  }
0x73: {  	_ =	shalt  }
0x74: {  	_ =	shalt  }
0x75: {  	_ =	shalt  }
0x76: {  	_ =	shalt  }
0x77: {  	_ =	shalt  }
0x78: {  	_ =	shalt  }
0x79: {  	_ =	shalt  }
0x7a: {  	_ =	shalt  }
0x7b: {  	_ =	shalt  }
0x7c: {  	_ =	shalt  }
0x7d: {  	_ =	shalt  }
0x7e: {  	_ =	shalt  }
0x7f: {  	_ =	shalt  }
0x80: {  	_ =	shalt  }
0x81: {  	_ =	shalt  }
0x82: {  	_ =	shalt  }
0x83: {  	_ =	shalt  }
0x84: {  	_ =	shalt  }
0x85: {  	_ =	shalt  }
0x86: {  	_ =	shalt  }
0x87: {  	_ =	shalt  }
.Lfunc_end0:
.L_simem_size_0:
called_computation_lowered:
.L_overlay_start_0:
0x88: {  	s2 =	sld [smem:$0x3FD9]  }
0x89: {  	s3 =	sld [smem:$0x3FFE];
	_ =	sdelay $0x1  }
0x8a: {  	s1 =	srdreg.scid  }
0x8b: {  	s0 =	sand.u32 $0x1, s1  }
0x8c: {  	s18 =	sshll.u32 s0, $0xA;
	s2 =	sadd.s32 s3, s2  }
0x8d: {  	s2 =	sadd.s32 s2, s18  }
0x8e: {  	[smem:$0x3FC5] =	sst s2  }
0x8f: {  	_ = 	snop  }
0x90: {  	s2 =	sld [smem:$0x3FC9]  }
0x91: {  	s19 =	sld [smem:$0x3FC8]  }
0x92: {  	s4 =	sld [smem:$0x3FC7]  }
0x93: {  	s5 =	sld [smem:$0x3FD0];
	(tm) =	ssettm $0x1  }
0x94: {  	s6 =	sld [smem:$0x3FFB];
	_ =	sdelay $0x3  }
0x95: {  	_ =	strace s6  }
0x96: {  	s6 =	sld [smem:$0x3FFC];
	_ =	sdelay $0x3  }
0x97: {  	_ =	strace s6  }
0x98: {  	s6 =	sld [smem:$0x3FFD];
	_ =	sdelay $0x3  }
0x99: {  	_ =	strace s6  }
0x9a: {  	_ =	strace $0x8FFFFFFF  }
0x9b: {  	s20 =	sld [smem:$0x3FDB];
	_ =	sdelay $0x1  }
0x9c: {  	s7 =	simm.s32 $_scs_section_size  }
0x9d: {  	s8 =	simm.s32 $_size__tile_overlayer_lowered;
	s9 =	simm.s32 $_tile_overlayer_lowered  }
0x9e: {  	s23 =	simm.s32 $0x1BFF;
	s22 =	sshll.u32 s9, $0x1;
	s6 =	sadd.s32 s7, s20  }
0x9f: {  	s10 =	simm.s32 $0x0;
	s21 =	sshll.u32 s8, $0x1;
	s8 =	sadd.s32 s22, s6  }
0xa0: {  	[timem:s10], [sflag:s23] =	dma.local [hbm:s8], s21  }
0xa1: {  	_ =	swait.ge [sflag:s23], s21  }
0xa2: {  	s7 =	ssub.s32 $0x0, s21;
	[sflag:s23] =	ssyncset.done $0x0  }
0xa3: {  	[sflag:s23] =	ssyncadd.s32 s7;
	_ =	sdelay $0x1  }
0xa4: {  	s24 =	simm.s32 $0x1B8B  }
0xa5: {  	_ =	swait.ge [sflag:s24], $0x1  }
0xa6: {  	[sflag:s24] =	ssyncset.done $0x0  }
0xa7: {  	s25 =	simm.s32 $0x1B8E;
	[sflag:s24] =	ssyncadd.s32 $0xFFFFFFFF  }
0xa8: {  	s26 =	simm.s32 $execute0_lowered;
	[smem:$0x3FD2] =	sst s25  }
0xa9: {  	s7 =	sshll.u32 s26, $0x1;
	_ =	strace $0x80000046;
	[dreg:$0x1] =	wrdreg $0xFFFFFFFF  }
0xaa: {  	s28 =	simm.s32 $_size_execute0_lowered;
	s6 =	sadd.s32 s6, s7;
	[dreg:$0x0] =	wrdreg $0x0  }
0xab: {  	s7 =	sshll.u32 s28, $0x1;
	[dreg:$0x2] =	wrdreg s6  }
0xac: {  	[dreg:$0x3] =	wrdreg s7  }
0xad: {  	[dreg:$0x4] =	wrdreg $0xC0  }
0xae: {  	_ =	task [dreg:s10], $0x5FFFF  }
0xaf: {  	[dreg:$0x1] =	wrdreg $0xFFFFFFFF  }
0xb0: {  	[dreg:$0x0] =	wrdreg $0x60  }
0xb1: {  	[dreg:$0x2] =	wrdreg s2  }
0xb2: {  	[dreg:$0x3] =	wrdreg s19  }
0xb3: {  	[dreg:$0x4] =	wrdreg s4  }
0xb4: {  	[dreg:$0x5] =	wrdreg s5  }
0xb5: {  	[dreg:$0x6] =	wrdreg $0x9  }
0xb6: {  	_ =	task.clear_ibuf [dreg:s10], $0x7FFFF;
	_ =	strace $0x90000046  }
0xb7: {  	s29 =	simm.s32 $0x9;
	_ =	strace $0x80000048  }
0xb8: {  	_ =	swait.ge [sflag:s29], $0x1  }
0xb9: {  	[sflag:s29] =	ssyncadd.s32 $0xFFFFFFFF  }
0xba: {  	_ =	strace $0x90000048  }
0xbb: {  	_ =	sfence  }
0xbc: {  	s30 =	sld [smem:$0x0];
	_ =	sdelay $0x2  }
0xbd: {  	s31 =	sshll.u32 s1, $0xD;
	s1 =	sshrl.u32 s1, $0x2  }
0xbe: {  	s3 =	sand.u32 $0x4000, s31;
	s1 =	sadd.s32 s1, s30  }
0xbf: {  	s0 =	sor.u32 s3, s0;
	s1 =	sshll.u32 s1, $0x11  }
0xc0: {  	s0 =	sor.u32 s1, s0  }
0xc1: {  	s0 =	sadd.s32 $0x8F2B, s0  }
0xc2: {  	[sflag:s0] =	ssyncadd.remote.s32 $0x1  }
0xc3: {  	_ =	sfence.sel $0xFFFF  }
0xc4: {  	[dreg:$0x0] =	wrdreg $0xFFFFFFFF;
	(pc) =	sbr.abs _section_cstart, $3  }
0xc5: {  	[dreg:$0x1] =	wrdreg $0xFFFFFFFF  }
0xc6: {  	_ =	task.clear_ibuf [dreg:s10], $0x2FFFF;
	_ =	strace $0x9FFFFFFF  }
0xc7: {  	(tm) =	ssettm $0x7FFFFFFF  }
tec
execute0_lowered:
.L_overlay_start_1:
0x0: {  	(tag) =	ssettag $0x1  }
0x1: {  	s0 =	rddreg [dreg:$0x0]  }
0x2: {  	s2 =	rddreg [dreg:$0x2]  }
0x3: {  	s1 =	rddreg [dreg:$0x3]  }
0x4: {  	s4 =	simm.s32 $0x0;
	s3 =	srdreg.scid;
	s11 =	stileid.u32  }
0x5: {  	s15 =	simm.s32 $0x4080;
	s20 =	simm.s32 $0x10080;
	s21 =	simm.s32 $0x10880  }
0x6: {  	s22 =	simm.s32 $0x11080;
	s28 =	simm.s32 $0x13080;
	s29 =	simm.s32 $0x13880  }
0x7: {  	s30 =	simm.s32 $0x1;
	s31 =	simm.s32 $0x2;
	s14 =	simm.s32 $0x0  }
0x8: {  	[smem:$0x7FF] =	sst s4;
	s3 =	sand.u32 $0x1, s3;
	s6 =	sshll.u32 s11, $0x1  }
0x9: {  	s8 =	sshll.u32 s11, $0x8;
	s9 =	sadd.s32 $0x300, s2;
	s24 =	sand.u32 $0x3, s11  }
0xa: {  	s25 =	sshll.u32 s11, $0x12;
	_ =	strace $0x80000047;
	s5 =	ssub.s32 $0x2, s3  }
0xb: {  	s6 =	sor.u32 s3, s6;
	s23 =	sand.u32 $0xC00, s8;
	s8 =	sadd.s32 $0x200, s2  }
0xc: {  	s26 =	sshll.u32 s3, $0x6;
	s1 =	sadd.s32 s25, s1;
	s3 =	sshll.u32 s3, $0x11  }
0xd: {  	s25 =	simm.s32 $0x12080;
	s7 =	sshrl.u32 s5, $0x1;
	s13 =	sand.u32 $0x7, s6  }
0xe: {  	s0 =	sadd.s32 s0, s23;
	s12 =	sadd.s32 s3, s1;
	s23 =	simm.s32 $0x8080  }
.Ltmp0:
0xf: {  	s3 =	simm.s32 $0x3;
	s1 =	simm.s32 $0x4;
	(pc) =	sbr.rel .LBB2_1-.Ltmp0, $4  }
0x10: {  	s5 =	ssub.s32 s5, s7;
	[dreg:$0x5] =	wrdreg s0;
	s6 =	sshll.u32 s13, $0xA  }
0x11: {  	v2 =	vlaneseq.u32;
	s7 =	sadd.s32 $0x100, s2;
	s0 =	sshll.u32 s24, $0x7;
	p0 =	seq.s32 s13, $0x0  }
0x12: {  	vm0 =	vmmov $0xffff;
	v1 =	vshrl.u32 v2, $0x3;
	s13 =	simm.s32 $0x5;
	s24 =	simm.s32 $0x11880;
	s10 =	smax.u32 s5, $0x1  }
0x13: {  	v0 =	vand.u32 $0x7, v2;
	v2 =	vor.u32 $0x8, v2;
	v1 =	vmul.u32 $0x8, v1;
	s11 =	sor.u32 s26, s0;
	s0 =	simm.s32 $0xC080;
	s26 =	simm.s32 $0x12880  }
.LBB2_10:
0x14: {  	s14 =	sadd.s32 $0x1, s14  }
0x15: {  	p1 =	sne.s32 s14, s10  }
.Ltmp1:
0x16: {  	_ = 	snop;
	(pc) =	sbr.rel @!p1 .LBB2_11-.Ltmp1, $1  }
0x17: {  	_ =	sdelay $0x3  }
.LBB2_1:
0x18: {  	s5 =	rddreg [dreg:$0x5]  }
0x19: {  	[tilespmem:s4], [sflag:$0x5] =	stream.linear.gather [hbm4b:s5+s4], $0x2000, $0x38;
	[tilespmem:$0x14080] =	vst v63  }
0x1a: {  	_ =	swait.ge [sflag:s13], $0x2000  }
0x1b: {  	[sflag:s13] =	ssyncset.done $0x0  }
0x1c: {  	[sflag:s13] =	ssyncadd.s32 $0xFFFFE000  }
.Ltmp2:
0x1d: {  	s16 =	simm.s32 $0x4000;
	s19 =	rddreg [dreg:$0x1];
	(pc) =	sbr.rel @p0 .LBB2_5-.Ltmp2, $4  }
0x1e: {  	[tilespmem:s16], [sflag:$0x5] =	stream.linear.gather [hbm4b:s19+s4], $0x80, $0x38;
	[tilespmem:$0x14080] =	vst v63  }
0x1f: {  	_ =	swait.ge [sflag:s13], $0x80  }
0x20: {  	[sflag:s13] =	ssyncset.done $0x0  }
0x21: {  	v3 =	vimm.s32 $0x0;
	[sflag:s13] =	ssyncadd.s32 $0xFFFFFF80  }
0x22: {  	p1 =	sne.s32 s11, $0x1  }
.Ltmp3:
0x23: {  	_ = 	snop;
	(pc) =	sbr.rel @!p1 .LBB2_4-.Ltmp3, $2  }
0x24: {  	_ =	sdelay $0x2  }
0x25: {  	s5 =	sadd.s32 $0xFFFFFFFF, s11;
	v4 =	vld [tilespmem:s4+$0x0];
	s16 =	simm.s32 $0x0  }
.LBB2_3:
0x26: {  	p1 =	sne.s32 s5, $0x1  }
.Ltmp4:
0x27: {  	_ = 	snop;
	(pc) =	sbr.rel @p1 .LBB2_3-.Ltmp4, $3  }
0x28: {  	_ =	sdelay $0x1  }
0x29: {  	s5 =	sadd.s32 $0xFFFFFFFF, s5;
	s16 =	sadd.s32 $0x10, s16;
	v3 =	vadd.s32 v3, v4  }
0x2a: {  	v4 =	vld [tilespmem:s16+$0x0]  }
.LBB2_4:
0x2b: {  	_ =	sdelay $0x3  }
0x2c: {  	v3 =	vadd.s32 v3, v4  }
.LBB2_5:
0x2d: {  	(xrf0) =	vadd.scan.msk.s32 $0xffff, v3;
	_ =	sdelay $0x5  }
0x2e: {  	v3, _, _ =	vpop (xrf0)  }
0x2f: {  	(v2sf) =	vpush v3, $0xF  }
0x30: {  	s5 =	simm.s32 $0x0  }
0x31: {  	s16 =	sand.u32 $0x380, s5  }
0x32: {  	s5 =	sand.u32 $0x70, s5;
	s16 =	sadd.s32 s16, s6  }
0x33: {  	s5 =	sadd.s32 s5, s16  }
0x34: {  	v4 =	vld [tilespmem:s5+$0x0];
	_ =	sdelay $0x4  }
0x35: {  	(xrf0) =	vadd.scan.msk.s32 $0xffff, v4  }
0x36: {  	v3 =	vld [tilespmem:$0x4000];
	_ =	sdelay $0x3  }
0x37: {  	s17 =	spop (v2sf)  }
0x38: {  	v6, _, _ =	vpop (xrf0);
	v5 =	vadd.s32 s17, v3  }
0x39: {  	(v2sf) =	vpush v6, $0xF;
	v5 =	vadd.s32 v6, v5  }
0x3a: {  	v4 =	vmul.u32 v4, v5  }
0x3b: {  	s18 =	simm.s32 $0x10  }
0x3c: {  	s19 =	simm.s32 $0x20;
	s16 =	simm.s32 $0x2000;
	s5 =	sand.u32 $0x380, s18;
	v4 =	vadd.s32 $0x1, v4  }
.LBB2_6:
0x3d: {  	p1 =	sne.s32 s19, $0x3F0;
	s18 =	sand.u32 $0x70, s18;
	s5 =	sadd.s32 s5, s6;
	[tilespmem:s16+$0x0] =	vst v4  }
0x3e: {  	s5 =	sadd.s32 s18, s5;
	s18 =	smov.u32 s19  }
0x3f: {  	v4 =	vld [tilespmem:s5+$0x0];
	_ =	sdelay $0x4  }
0x40: {  	(xrf0) =	vadd.scan.msk.s32 $0xffff, v4;
	_ =	sdelay $0x3  }
0x41: {  	s5 =	spop (v2sf)  }
0x42: {  	s17 =	sadd.s32 s17, s5  }
.Ltmp5:
0x43: {  	v5 =	vadd.s32 s17, v3;
	v6, _, _ =	vpop (xrf0);
	(pc) =	sbr.rel @p1 .LBB2_6-.Ltmp5, $3  }
0x44: {  	v5 =	vadd.s32 v6, v5;
	(v2sf) =	vpush v6, $0xF  }
0x45: {  	v4 =	vmul.u32 v4, v5;
	_ =	sdelay $0x1  }
0x46: {  	s16 =	sadd.s32 $0x80, s16;
	s19 =	sadd.s32 $0x10, s19;
	s5 =	sand.u32 $0x380, s18;
	v4 =	vadd.s32 $0x1, v4  }
0x47: {  	s18 =	sand.u32 $0x70, s18;
	s5 =	sadd.s32 s5, s6  }
0x48: {  	[tilespmem:s16+$0x0] =	vst v4;
	s5 =	sadd.s32 s18, s5  }
0x49: {  	v4 =	vld [tilespmem:s5+$0x0];
	_ =	sdelay $0x4  }
0x4a: {  	(xrf0) =	vadd.scan.msk.s32 $0xffff, v4;
	_ =	sdelay $0x3  }
0x4b: {  	s19 =	spop (v2sf)  }
0x4c: {  	s5 =	sadd.s32 s17, s19  }
0x4d: {  	v3 =	vadd.s32 s5, v3;
	v5, _, _ =	vpop (xrf0)  }
0x4e: {  	v3 =	vadd.s32 v5, v3  }
0x4f: {  	v3 =	vmul.u32 v4, v3;
	_ =	sdelay $0x1  }
0x50: {  	s18 =	sadd.s32 $0x80, s16;
	v3 =	vadd.s32 $0x1, v3  }
0x51: {  	[tilespmem:s18+$0x0] =	vst v3  }
0x52: {  	v3 =	vld [tilespmem:$0x2000];
	_ =	sdelay $0x4  }
0x53: {  	v60 =	vshll.u32 v3, $0x3  }
0x54: {  	v3 =	vand.u32 $0x7, v3;
	v4 =	vand.u32 $0xFFFFFFC0, v60  }
0x55: {  	v3 =	vor.u32 v3, v4  }
0x56: {  	v4 =	vperm.xlane v3, v0;
	_ =	sdelay $0x1  }
0x57: {  	v4 =	vadd.s32 v1, v4;
	_ =	sdelay $0x3  }
0x58: {  	s16 =	simm.s32 $0x0  }
0x59: {  	[tilespmem:s15], [sflag:$0x1] =	stream.indirect_vreg.gather [hbm4b:s2+s16], $0x80, v4, vm0, $0xb8;
	[tilespmem:$0x14080] =	vst v63  }
0x5a: {  	s19 =	simm.s32 $0x4880;
	v3 =	vperm.xlane v3, v2  }
0x5b: {  	[tilespmem:s19], [sflag:$0x1] =	stream.indirect_vreg.gather [hbm4b:s7+s16], $0x80, v4, vm0, $0xb8;
	[tilespmem:$0x14080] =	vst v63  }
0x5c: {  	s17 =	simm.s32 $0x5080;
	v3 =	vadd.s32 v1, v3  }
0x5d: {  	[tilespmem:s17], [sflag:$0x1] =	stream.indirect_vreg.gather [hbm4b:s8+s16], $0x80, v4, vm0, $0xb8;
	[tilespmem:$0x14080] =	vst v63  }
0x5e: {  	s18 =	simm.s32 $0x5880  }
0x5f: {  	[tilespmem:s18], [sflag:$0x1] =	stream.indirect_vreg.gather [hbm4b:s9+s16], $0x80, v4, vm0, $0xb8;
	[tilespmem:$0x14080] =	vst v63  }
0x60: {  	s19 =	simm.s32 $0x6080  }
0x61: {  	[tilespmem:s19], [sflag:$0x1] =	stream.indirect_vreg.gather [hbm4b:s2+s16], $0x80, v3, vm0, $0xb8;
	[tilespmem:$0x14080] =	vst v63  }
0x62: {  	s17 =	simm.s32 $0x6880  }
0x63: {  	[tilespmem:s17], [sflag:$0x1] =	stream.indirect_vreg.gather [hbm4b:s7+s16], $0x80, v3, vm0, $0xb8;
	[tilespmem:$0x14080] =	vst v63  }
0x64: {  	s18 =	simm.s32 $0x7080  }
0x65: {  	[tilespmem:s18], [sflag:$0x1] =	stream.indirect_vreg.gather [hbm4b:s8+s16], $0x80, v3, vm0, $0xb8;
	[tilespmem:$0x14080] =	vst v63  }
0x66: {  	s19 =	simm.s32 $0x7880  }
0x67: {  	[tilespmem:s19], [sflag:$0x1] =	stream.indirect_vreg.gather [hbm4b:s9+s16], $0x80, v3, vm0, $0xb8;
	[tilespmem:$0x14080] =	vst v63  }
0x68: {  	v3 =	vld [tilespmem:$0x2080];
	_ =	sdelay $0x4  }
0x69: {  	v61 =	vshll.u32 v3, $0x3  }
0x6a: {  	v3 =	vand.u32 $0x7, v3;
	v4 =	vand.u32 $0xFFFFFFC0, v61  }
0x6b: {  	v3 =	vor.u32 v3, v4  }
0x6c: {  	v4 =	vperm.xlane v3, v0;
	_ =	sdelay $0x1  }
0x6d: {  	v4 =	vadd.s32 v1, v4;
	_ =	sdelay $0x4  }
0x6e: {  	[tilespmem:s23], [sflag:$0x2] =	stream.indirect_vreg.gather [hbm4b:s2+s16], $0x80, v4, vm0, $0xb8;
	[tilespmem:$0x14080] =	vst v63  }
0x6f: {  	s17 =	simm.s32 $0x8880;
	v3 =	vperm.xlane v3, v2  }
0x70: {  	[tilespmem:s17], [sflag:$0x2] =	stream.indirect_vreg.gather [hbm4b:s7+s16], $0x80, v4, vm0, $0xb8;
	[tilespmem:$0x14080] =	vst v63  }
0x71: {  	s18 =	simm.s32 $0x9080;
	v3 =	vadd.s32 v1, v3  }
0x72: {  	[tilespmem:s18], [sflag:$0x2] =	stream.indirect_vreg.gather [hbm4b:s8+s16], $0x80, v4, vm0, $0xb8;
	[tilespmem:$0x14080] =	vst v63  }
0x73: {  	s19 =	simm.s32 $0x9880  }
0x74: {  	[tilespmem:s19], [sflag:$0x2] =	stream.indirect_vreg.gather [hbm4b:s9+s16], $0x80, v4, vm0, $0xb8;
	[tilespmem:$0x14080] =	vst v63  }
0x75: {  	s17 =	simm.s32 $0xA080  }
0x76: {  	[tilespmem:s17], [sflag:$0x2] =	stream.indirect_vreg.gather [hbm4b:s2+s16], $0x80, v3, vm0, $0xb8;
	[tilespmem:$0x14080] =	vst v63  }
0x77: {  	s18 =	simm.s32 $0xA880  }
0x78: {  	[tilespmem:s18], [sflag:$0x2] =	stream.indirect_vreg.gather [hbm4b:s7+s16], $0x80, v3, vm0, $0xb8;
	[tilespmem:$0x14080] =	vst v63  }
0x79: {  	s19 =	simm.s32 $0xB080  }
0x7a: {  	[tilespmem:s19], [sflag:$0x2] =	stream.indirect_vreg.gather [hbm4b:s8+s16], $0x80, v3, vm0, $0xb8;
	[tilespmem:$0x14080] =	vst v63  }
0x7b: {  	s17 =	simm.s32 $0xB880  }
0x7c: {  	[tilespmem:s17], [sflag:$0x2] =	stream.indirect_vreg.gather [hbm4b:s9+s16], $0x80, v3, vm0, $0xb8;
	[tilespmem:$0x14080] =	vst v63  }
0x7d: {  	v3 =	vld [tilespmem:$0x2100];
	_ =	sdelay $0x4  }
0x7e: {  	v62 =	vshll.u32 v3, $0x3  }
0x7f: {  	v3 =	vand.u32 $0x7, v3;
	v4 =	vand.u32 $0xFFFFFFC0, v62  }
0x80: {  	v3 =	vor.u32 v3, v4  }
0x81: {  	v4 =	vperm.xlane v3, v0;
	_ =	sdelay $0x1  }
0x82: {  	v4 =	vadd.s32 v1, v4;
	_ =	sdelay $0x4  }
0x83: {  	[tilespmem:s0], [sflag:$0x3] =	stream.indirect_vreg.gather [hbm4b:s2+s16], $0x80, v4, vm0, $0xb8;
	[tilespmem:$0x14080] =	vst v63  }
0x84: {  	s18 =	simm.s32 $0xC880;
	v3 =	vperm.xlane v3, v2  }
0x85: {  	[tilespmem:s18], [sflag:$0x3] =	stream.indirect_vreg.gather [hbm4b:s7+s16], $0x80, v4, vm0, $0xb8;
	[tilespmem:$0x14080] =	vst v63  }
0x86: {  	s19 =	simm.s32 $0xD080;
	v3 =	vadd.s32 v1, v3  }
0x87: {  	[tilespmem:s19], [sflag:$0x3] =	stream.indirect_vreg.gather [hbm4b:s8+s16], $0x80, v4, vm0, $0xb8;
	[tilespmem:$0x14080] =	vst v63  }
0x88: {  	s17 =	simm.s32 $0xD880  }
0x89: {  	[tilespmem:s17], [sflag:$0x3] =	stream.indirect_vreg.gather [hbm4b:s9+s16], $0x80, v4, vm0, $0xb8;
	[tilespmem:$0x14080] =	vst v63  }
0x8a: {  	s18 =	simm.s32 $0xE080  }
0x8b: {  	[tilespmem:s18], [sflag:$0x3] =	stream.indirect_vreg.gather [hbm4b:s2+s16], $0x80, v3, vm0, $0xb8;
	[tilespmem:$0x14080] =	vst v63  }
0x8c: {  	s19 =	simm.s32 $0xE880  }
0x8d: {  	[tilespmem:s19], [sflag:$0x3] =	stream.indirect_vreg.gather [hbm4b:s7+s16], $0x80, v3, vm0, $0xb8;
	[tilespmem:$0x14080] =	vst v63  }
0x8e: {  	s17 =	simm.s32 $0xF080  }
0x8f: {  	[tilespmem:s17], [sflag:$0x3] =	stream.indirect_vreg.gather [hbm4b:s8+s16], $0x80, v3, vm0, $0xb8;
	[tilespmem:$0x14080] =	vst v63  }
0x90: {  	s18 =	simm.s32 $0xF880  }
0x91: {  	[tilespmem:s18], [sflag:$0x3] =	stream.indirect_vreg.gather [hbm4b:s9+s16], $0x80, v3, vm0, $0xb8;
	[tilespmem:$0x14080] =	vst v63  }
0x92: {  	v3 =	vld [tilespmem:$0x2180];
	_ =	sdelay $0x4  }
0x93: {  	v63 =	vshll.u32 v3, $0x3  }
0x94: {  	v3 =	vand.u32 $0x7, v3;
	v4 =	vand.u32 $0xFFFFFFC0, v63  }
0x95: {  	v3 =	vor.u32 v3, v4  }
0x96: {  	v4 =	vperm.xlane v3, v0;
	_ =	sdelay $0x1  }
0x97: {  	v4 =	vadd.s32 v1, v4;
	_ =	sdelay $0x2  }
0x98: {  	(v2sf) =	vpush v5, $0xF;
	_ =	sdelay $0x1  }
0x99: {  	[tilespmem:s20], [sflag:$0x4] =	stream.indirect_vreg.gather [hbm4b:s2+s16], $0x80, v4, vm0, $0xb8;
	[tilespmem:$0x14080] =	vst v63  }
0x9a: {  	v3 =	vperm.xlane v3, v2  }
0x9b: {  	[tilespmem:s21], [sflag:$0x4] =	stream.indirect_vreg.gather [hbm4b:s7+s16], $0x80, v4, vm0, $0xb8;
	[tilespmem:$0x14080] =	vst v63  }
0x9c: {  	v3 =	vadd.s32 v1, v3  }
0x9d: {  	[tilespmem:s22], [sflag:$0x4] =	stream.indirect_vreg.gather [hbm4b:s8+s16], $0x80, v4, vm0, $0xb8;
	[tilespmem:$0x14080] =	vst v63  }
0x9e: {  	_ = 	snop  }
0x9f: {  	[tilespmem:s24], [sflag:$0x4] =	stream.indirect_vreg.gather [hbm4b:s9+s16], $0x80, v4, vm0, $0xb8;
	[tilespmem:$0x14080] =	vst v63  }
0xa0: {  	_ = 	snop  }
0xa1: {  	[tilespmem:s25], [sflag:$0x4] =	stream.indirect_vreg.gather [hbm4b:s2+s16], $0x80, v3, vm0, $0xb8;
	[tilespmem:$0x14080] =	vst v63  }
0xa2: {  	_ = 	snop  }
0xa3: {  	[tilespmem:s26], [sflag:$0x4] =	stream.indirect_vreg.gather [hbm4b:s7+s16], $0x80, v3, vm0, $0xb8;
	[tilespmem:$0x14080] =	vst v63  }
0xa4: {  	_ = 	snop  }
0xa5: {  	[tilespmem:s28], [sflag:$0x4] =	stream.indirect_vreg.gather [hbm4b:s8+s16], $0x80, v3, vm0, $0xb8;
	[tilespmem:$0x14080] =	vst v63  }
0xa6: {  	s19 =	spop (v2sf);
	s17 =	simm.s32 $0x2380  }
0xa7: {  	[tilespmem:s29], [sflag:$0x4] =	stream.indirect_vreg.gather [hbm4b:s9+s16], $0x80, v3, vm0, $0xb8;
	[tilespmem:$0x14080] =	vst v63  }
.LBB2_8:
0xa8: {  	_ =	swait.ge [sflag:s30], $0x4000  }
0xa9: {  	[sflag:s30] =	ssyncset.done $0x0  }
0xaa: {  	s18 =	sadd.s32 s16, s12;
	[sflag:s30] =	ssyncadd.s32 $0xFFFFC000  }
0xab: {  	[hbm4b:s18+s4] =	stream.linear.scatter [tilespmem:s15], [sflag:$0x5], $0x4000, $0x38;
	[tilespmem:$0x14080] =	vst v63  }
0xac: {  	_ =	swait.ge [sflag:s13], $0x4000  }
0xad: {  	[sflag:s13] =	ssyncset.done $0x0  }
0xae: {  	p1 =	seq.s32 s16, $0x1E000;
	[sflag:s13] =	ssyncadd.s32 $0xFFFFC000  }
0xaf: {  	v3 =	vld @!p1 [tilespmem:s17+$0xFFFFFE80];
	_ =	sdelay $0x4  }
0xb0: {  	v4 =	vshll.u32 @!p1 v3, $0x3  }
0xb1: {  	v5 =	vlaneseq.u32 @!p1;
	v3 =	vand.u32 @!p1 $0x7, v3;
	v4 =	vand.u32 @!p1 $0xFFFFFFC0, v4  }
0xb2: {  	v6 =	vshrl.u32 @!p1 v5, $0x3;
	v3 =	vor.u32 @!p1 v3, v4;
	v4 =	vand.u32 @!p1 $0x7, v5  }
0xb3: {  	v6 =	vmul.u32 @!p1 $0x8, v6;
	v7 =	vperm.xlane @!p1 v3, v4;
	_ =	sdelay $0x1  }
0xb4: {  	v7 =	vadd.s32 @!p1 v6, v7;
	_ =	sdelay $0x3  }
0xb5: {  	vm1 =	vmmov @!p1 $0xffff;
	s19 =	simm.s32 @!p1 $0x0;
	s5 =	simm.s32 @!p1 $0x4080  }
0xb6: {  	v5 =	vor.u32 @!p1 $0x8, v5;
	[tilespmem:s5], [sflag:$0x1] =	stream.indirect_vreg.gather @!p1 [hbm4b:s2+s19], $0x80, v7, vm1, $0xb8;
	[tilespmem:$0x14080] =	vst v63  }
0xb7: {  	v3 =	vperm.xlane @!p1 v3, v5;
	s5 =	simm.s32 @!p1 $0x4880  }
0xb8: {  	[tilespmem:s5], [sflag:$0x1] =	stream.indirect_vreg.gather @!p1 [hbm4b:s7+s19], $0x80, v7, vm1, $0xb8;
	[tilespmem:$0x14080] =	vst v63  }
0xb9: {  	v3 =	vadd.s32 @!p1 v6, v3;
	s5 =	simm.s32 @!p1 $0x5080  }
0xba: {  	[tilespmem:s5], [sflag:$0x1] =	stream.indirect_vreg.gather @!p1 [hbm4b:s8+s19], $0x80, v7, vm1, $0xb8;
	[tilespmem:$0x14080] =	vst v63  }
0xbb: {  	s5 =	simm.s32 @!p1 $0x5880  }
0xbc: {  	[tilespmem:s5], [sflag:$0x1] =	stream.indirect_vreg.gather @!p1 [hbm4b:s9+s19], $0x80, v7, vm1, $0xb8;
	[tilespmem:$0x14080] =	vst v63  }
0xbd: {  	s5 =	simm.s32 @!p1 $0x6080  }
0xbe: {  	[tilespmem:s5], [sflag:$0x1] =	stream.indirect_vreg.gather @!p1 [hbm4b:s2+s19], $0x80, v3, vm1, $0xb8;
	[tilespmem:$0x14080] =	vst v63  }
0xbf: {  	s5 =	simm.s32 @!p1 $0x6880  }
0xc0: {  	[tilespmem:s5], [sflag:$0x1] =	stream.indirect_vreg.gather @!p1 [hbm4b:s7+s19], $0x80, v3, vm1, $0xb8;
	[tilespmem:$0x14080] =	vst v63  }
0xc1: {  	s5 =	simm.s32 @!p1 $0x7080  }
0xc2: {  	[tilespmem:s5], [sflag:$0x1] =	stream.indirect_vreg.gather @!p1 [hbm4b:s8+s19], $0x80, v3, vm1, $0xb8;
	[tilespmem:$0x14080] =	vst v63  }
0xc3: {  	s5 =	simm.s32 @!p1 $0x7880  }
0xc4: {  	[tilespmem:s5], [sflag:$0x1] =	stream.indirect_vreg.gather @!p1 [hbm4b:s9+s19], $0x80, v3, vm1, $0xb8;
	[tilespmem:$0x14080] =	vst v63  }
0xc5: {  	_ =	swait.ge [sflag:s31], $0x4000  }
0xc6: {  	[sflag:s31] =	ssyncset.done $0x0  }
0xc7: {  	s5 =	sadd.s32 $0x800, s18;
	[sflag:s31] =	ssyncadd.s32 $0xFFFFC000  }
0xc8: {  	[hbm4b:s5+s4] =	stream.linear.scatter [tilespmem:s23], [sflag:$0x5], $0x4000, $0x38;
	[tilespmem:$0x14080] =	vst v63  }
0xc9: {  	_ =	swait.ge [sflag:s13], $0x4000  }
0xca: {  	[sflag:s13] =	ssyncset.done $0x0  }
0xcb: {  	[sflag:s13] =	ssyncadd.s32 $0xFFFFC000  }
0xcc: {  	v3 =	vld @!p1 [tilespmem:s17+$0xFFFFFF00];
	_ =	sdelay $0x4  }
0xcd: {  	v7 =	vshll.u32 @!p1 v3, $0x3  }
0xce: {  	v3 =	vand.u32 @!p1 $0x7, v3;
	v7 =	vand.u32 @!p1 $0xFFFFFFC0, v7  }
0xcf: {  	v3 =	vor.u32 @!p1 v3, v7  }
0xd0: {  	v7 =	vperm.xlane @!p1 v3, v4;
	_ =	sdelay $0x1  }
0xd1: {  	v7 =	vadd.s32 @!p1 v6, v7;
	_ =	sdelay $0x3  }
0xd2: {  	s5 =	simm.s32 @!p1 $0x8080  }
0xd3: {  	[tilespmem:s5], [sflag:$0x2] =	stream.indirect_vreg.gather @!p1 [hbm4b:s2+s19], $0x80, v7, vm1, $0xb8;
	[tilespmem:$0x14080] =	vst v63  }
0xd4: {  	v3 =	vperm.xlane @!p1 v3, v5;
	s5 =	simm.s32 @!p1 $0x8880  }
0xd5: {  	[tilespmem:s5], [sflag:$0x2] =	stream.indirect_vreg.gather @!p1 [hbm4b:s7+s19], $0x80, v7, vm1, $0xb8;
	[tilespmem:$0x14080] =	vst v63  }
0xd6: {  	v3 =	vadd.s32 @!p1 v6, v3;
	s5 =	simm.s32 @!p1 $0x9080  }
0xd7: {  	[tilespmem:s5], [sflag:$0x2] =	stream.indirect_vreg.gather @!p1 [hbm4b:s8+s19], $0x80, v7, vm1, $0xb8;
	[tilespmem:$0x14080] =	vst v63  }
0xd8: {  	s5 =	simm.s32 @!p1 $0x9880  }
0xd9: {  	[tilespmem:s5], [sflag:$0x2] =	stream.indirect_vreg.gather @!p1 [hbm4b:s9+s19], $0x80, v7, vm1, $0xb8;
	[tilespmem:$0x14080] =	vst v63  }
0xda: {  	s5 =	simm.s32 @!p1 $0xA080  }
0xdb: {  	[tilespmem:s5], [sflag:$0x2] =	stream.indirect_vreg.gather @!p1 [hbm4b:s2+s19], $0x80, v3, vm1, $0xb8;
	[tilespmem:$0x14080] =	vst v63  }
0xdc: {  	s5 =	simm.s32 @!p1 $0xA880  }
0xdd: {  	[tilespmem:s5], [sflag:$0x2] =	stream.indirect_vreg.gather @!p1 [hbm4b:s7+s19], $0x80, v3, vm1, $0xb8;
	[tilespmem:$0x14080] =	vst v63  }
0xde: {  	s5 =	simm.s32 @!p1 $0xB080  }
0xdf: {  	[tilespmem:s5], [sflag:$0x2] =	stream.indirect_vreg.gather @!p1 [hbm4b:s8+s19], $0x80, v3, vm1, $0xb8;
	[tilespmem:$0x14080] =	vst v63  }
0xe0: {  	s5 =	simm.s32 @!p1 $0xB880  }
0xe1: {  	[tilespmem:s5], [sflag:$0x2] =	stream.indirect_vreg.gather @!p1 [hbm4b:s9+s19], $0x80, v3, vm1, $0xb8;
	[tilespmem:$0x14080] =	vst v63  }
0xe2: {  	_ =	swait.ge [sflag:s3], $0x4000  }
0xe3: {  	[sflag:s3] =	ssyncset.done $0x0  }
0xe4: {  	s5 =	sadd.s32 $0x1000, s18;
	[sflag:s3] =	ssyncadd.s32 $0xFFFFC000  }
0xe5: {  	[hbm4b:s5+s4] =	stream.linear.scatter [tilespmem:s0], [sflag:$0x5], $0x4000, $0x38;
	[tilespmem:$0x14080] =	vst v63  }
0xe6: {  	_ =	swait.ge [sflag:s13], $0x4000  }
0xe7: {  	[sflag:s13] =	ssyncset.done $0x0  }
0xe8: {  	[sflag:s13] =	ssyncadd.s32 $0xFFFFC000  }
0xe9: {  	v3 =	vld @!p1 [tilespmem:s17+$0xFFFFFF80];
	_ =	sdelay $0x4  }
0xea: {  	v7 =	vshll.u32 @!p1 v3, $0x3  }
0xeb: {  	v3 =	vand.u32 @!p1 $0x7, v3;
	v7 =	vand.u32 @!p1 $0xFFFFFFC0, v7  }
0xec: {  	v3 =	vor.u32 @!p1 v3, v7  }
0xed: {  	v4 =	vperm.xlane @!p1 v3, v4;
	_ =	sdelay $0x1  }
0xee: {  	v4 =	vadd.s32 @!p1 v6, v4;
	_ =	sdelay $0x3  }
0xef: {  	s5 =	simm.s32 @!p1 $0xC080  }
0xf0: {  	[tilespmem:s5], [sflag:$0x3] =	stream.indirect_vreg.gather @!p1 [hbm4b:s2+s19], $0x80, v4, vm1, $0xb8;
	[tilespmem:$0x14080] =	vst v63  }
0xf1: {  	v3 =	vperm.xlane @!p1 v3, v5;
	s5 =	simm.s32 @!p1 $0xC880  }
0xf2: {  	[tilespmem:s5], [sflag:$0x3] =	stream.indirect_vreg.gather @!p1 [hbm4b:s7+s19], $0x80, v4, vm1, $0xb8;
	[tilespmem:$0x14080] =	vst v63  }
0xf3: {  	v3 =	vadd.s32 @!p1 v6, v3;
	s5 =	simm.s32 @!p1 $0xD080  }
0xf4: {  	[tilespmem:s5], [sflag:$0x3] =	stream.indirect_vreg.gather @!p1 [hbm4b:s8+s19], $0x80, v4, vm1, $0xb8;
	[tilespmem:$0x14080] =	vst v63  }
0xf5: {  	s5 =	simm.s32 @!p1 $0xD880  }
0xf6: {  	[tilespmem:s5], [sflag:$0x3] =	stream.indirect_vreg.gather @!p1 [hbm4b:s9+s19], $0x80, v4, vm1, $0xb8;
	[tilespmem:$0x14080] =	vst v63  }
0xf7: {  	s5 =	simm.s32 @!p1 $0xE080  }
0xf8: {  	[tilespmem:s5], [sflag:$0x3] =	stream.indirect_vreg.gather @!p1 [hbm4b:s2+s19], $0x80, v3, vm1, $0xb8;
	[tilespmem:$0x14080] =	vst v63  }
0xf9: {  	s5 =	simm.s32 @!p1 $0xE880  }
0xfa: {  	[tilespmem:s5], [sflag:$0x3] =	stream.indirect_vreg.gather @!p1 [hbm4b:s7+s19], $0x80, v3, vm1, $0xb8;
	[tilespmem:$0x14080] =	vst v63  }
0xfb: {  	s5 =	simm.s32 @!p1 $0xF080  }
0xfc: {  	[tilespmem:s5], [sflag:$0x3] =	stream.indirect_vreg.gather @!p1 [hbm4b:s8+s19], $0x80, v3, vm1, $0xb8;
	[tilespmem:$0x14080] =	vst v63  }
0xfd: {  	s5 =	simm.s32 @!p1 $0xF880  }
0xfe: {  	[tilespmem:s5], [sflag:$0x3] =	stream.indirect_vreg.gather @!p1 [hbm4b:s9+s19], $0x80, v3, vm1, $0xb8;
	[tilespmem:$0x14080] =	vst v63  }
0xff: {  	_ =	swait.ge [sflag:s1], $0x4000  }
0x100: {  	[sflag:s1] =	ssyncset.done $0x0  }
.Ltmp6:
0x101: {  	s19 =	sadd.s32 $0x1800, s18;
	[sflag:s1] =	ssyncadd.s32 $0xFFFFC000;
	(pc) =	sbr.rel @p1 .LBB2_10-.Ltmp6, $4  }
0x102: {  	[hbm4b:s19+s4] =	stream.linear.scatter [tilespmem:s20], [sflag:$0x5], $0x4000, $0x38;
	[tilespmem:$0x14080] =	vst v63  }
0x103: {  	_ =	swait.ge [sflag:s13], $0x4000  }
0x104: {  	[sflag:s13] =	ssyncset.done $0x0  }
0x105: {  	[sflag:s13] =	ssyncadd.s32 $0xFFFFC000  }
0x106: {  	v3 =	vld [tilespmem:s17+$0x0];
	_ =	sdelay $0x4  }
0x107: {  	v4 =	vshll.u32 v3, $0x3  }
0x108: {  	v3 =	vand.u32 $0x7, v3;
	v4 =	vand.u32 $0xFFFFFFC0, v4  }
0x109: {  	v3 =	vor.u32 v3, v4  }
0x10a: {  	v4 =	vperm.xlane v3, v0;
	_ =	sdelay $0x1  }
0x10b: {  	v4 =	vadd.s32 v1, v4;
	_ =	sdelay $0x4  }
0x10c: {  	[tilespmem:s20], [sflag:$0x4] =	stream.indirect_vreg.gather [hbm4b:s2+s4], $0x80, v4, vm0, $0xb8;
	[tilespmem:$0x14080] =	vst v63  }
0x10d: {  	v3 =	vperm.xlane v3, v2  }
0x10e: {  	[tilespmem:s21], [sflag:$0x4] =	stream.indirect_vreg.gather [hbm4b:s7+s4], $0x80, v4, vm0, $0xb8;
	[tilespmem:$0x14080] =	vst v63  }
0x10f: {  	v3 =	vadd.s32 v1, v3  }
0x110: {  	[tilespmem:s22], [sflag:$0x4] =	stream.indirect_vreg.gather [hbm4b:s8+s4], $0x80, v4, vm0, $0xb8;
	[tilespmem:$0x14080] =	vst v63  }
0x111: {  	_ = 	snop  }
0x112: {  	[tilespmem:s24], [sflag:$0x4] =	stream.indirect_vreg.gather [hbm4b:s9+s4], $0x80, v4, vm0, $0xb8;
	[tilespmem:$0x14080] =	vst v63  }
0x113: {  	_ = 	snop  }
0x114: {  	[tilespmem:s25], [sflag:$0x4] =	stream.indirect_vreg.gather [hbm4b:s2+s4], $0x80, v3, vm0, $0xb8;
	[tilespmem:$0x14080] =	vst v63  }
0x115: {  	_ = 	snop  }
0x116: {  	[tilespmem:s26], [sflag:$0x4] =	stream.indirect_vreg.gather [hbm4b:s7+s4], $0x80, v3, vm0, $0xb8;
	[tilespmem:$0x14080] =	vst v63  }
.Ltmp7:
0x117: {  	_ = 	snop;
	(pc) =	sbr.rel .LBB2_8-.Ltmp7, $4  }
0x118: {  	_ = 	snop  }
0x119: {  	[tilespmem:s28], [sflag:$0x4] =	stream.indirect_vreg.gather [hbm4b:s8+s4], $0x80, v3, vm0, $0xb8;
	[tilespmem:$0x14080] =	vst v63  }
0x11a: {  	s16 =	sadd.s32 $0x2000, s16;
	s17 =	sadd.s32 $0x200, s17  }
0x11b: {  	[tilespmem:s29], [sflag:$0x4] =	stream.indirect_vreg.gather [hbm4b:s9+s4], $0x80, v3, vm0, $0xb8;
	[tilespmem:$0x14080] =	vst v63  }
.LBB2_11:
0x11c: {  	_ =	sfence.sel $0x180000  }
0x11d: {  	[bflag:$0x0] =	sbarrier.arrive $0xFFFF  }
0x11e: {  	_ =	strace $0x90000047  }
0x11f: {  	s0 =	stileid.u32;
	[bflag:$0x2] =	sbarrier.arrive $0xFFFF  }
0x120: {  	p0 =	sne.s32 s0, $0x0;
	s0 =	rddreg [dreg:$0x4]  }
0x121: {  	s0 =	sadd.s32 @!p0 $0x100000, s0  }
0x122: {  	[sflag:s0] =	ssyncadd.tile.s32 @!p0 $0x1;
	_ =	shalt  }
.Lfunc_end2:
_tile_overlayer_lowered:
.L_overlay_start_2:
0x123: {  	(tag) =	ssettag $0x2  }
0x124: {  	s0 =	rddreg [dreg:$0x0];
	s2 =	stileid.u32  }
0x125: {  	s1 =	rddreg [dreg:$0x1];
	p0 =	sne.s32 s2, $0x0  }
0x126: {  	s3 =	rddreg [dreg:$0x2];
	[bflag:$0x3] =	sbarrier.arrive $0xFFFF;
	s2 =	simm.s32 @!p0 $0x1C05  }
0x127: {  	[timem:s3], [sflag:s2] =	dma.local @!p0 [hbm:s0], s1  }
0x128: {  	s0 =	simm.s32 @!p0 $0x5  }
0x129: {  	_ =	swait.ge @!p0 [sflag:s0], s1  }
0x12a: {  	s1 =	ssub.s32 @!p0 $0x0, s1;
	[sflag:s0] =	ssyncset.done @!p0 $0x0  }
0x12b: {  	[sflag:s0] =	ssyncadd.s32 @!p0 s1  }
0x12c: {  	[bflag:$0x3] =	sbarrier.arrive $0xFFFF  }
0x12d: {  	_ =	shalt  }

</sc_bundles>
